<compile_context>
chip_gen: v7x
topology: tpu7x:2x2x1
jax: 0.10.2.dev20260603
libtpu: 0.0.44.dev20260713+nightly
codegen_flags: <defaults>
</compile_context>

<pallas_src>
import functools

import jax
import jax.numpy as jnp
from jax import lax
from jax.experimental import pallas as pl
from jax.experimental.pallas import tpu as pltpu
from jax.experimental.pallas import tpu_sc as plsc

INPUT_BITS = 16384
OUTPUT_BITS = 65536
N_BITS = 8
N_CELLS = 1 << N_BITS

NC = 2
NS = 16
L = 16
NW = NC * NS
N_PER_W = OUTPUT_BITS // NW
BLOCKS = N_PER_W // 128
GROUPS = 128 // L


def _build():
    mesh = plsc.VectorSubcoreMesh(core_axis_name="c", subcore_axis_name="s")

    @functools.partial(
        pl.kernel,
        mesh=mesh,
        compiler_params=pltpu.CompilerParams(needs_layout_passes=False),
        out_type=jax.ShapeDtypeStruct((OUTPUT_BITS,), jnp.float32),
        scratch_types=[
            pltpu.VMEM((INPUT_BITS,), jnp.int32),
            pltpu.VMEM_SHARED((INPUT_BITS,), jnp.int32),
            pltpu.VMEM((N_PER_W * N_BITS,), jnp.int32),
            pltpu.VMEM((BLOCKS, 128), jnp.int32),
            pltpu.VMEM((N_PER_W,), jnp.float32),
            pltpu.SemaphoreType.DMA,
            pltpu.SemaphoreType.DMA,
            pltpu.SemaphoreType.DMA,
        ],
    )
    def ram_lookup(x_hbm, map_hbm, mem_hbm, out_hbm, x_v, x_sh, map_v, idx_v, res_v,
                   in_sem, m_sem, g_sem):
        wid = lax.axis_index("s") * NC + lax.axis_index("c")
        base = wid * N_PER_W

        chunks = 4
        mb_per_chunk = N_PER_W * N_BITS // chunks
        blk_per_chunk = BLOCKS // chunks
        grp_per_chunk = BLOCKS * GROUPS // chunks

        map_cps = [
            pltpu.async_copy(
                map_hbm.at[pl.ds(base * N_BITS + c * mb_per_chunk,
                                 mb_per_chunk)],
                map_v.at[pl.ds(c * mb_per_chunk, mb_per_chunk)], m_sem)
            for c in range(chunks)
        ]

        @pl.when(lax.axis_index("s") == 0)
        def _():
            pltpu.sync_copy(x_hbm, x_sh)

        plsc.subcore_barrier()
        pltpu.async_copy(x_sh, x_v, in_sem).wait()

        lanes = lax.iota(jnp.int32, L)
        lane_part = ((lanes >> 3) << 11) | ((lanes & 7) << 7)

        gathers = []
        for c in range(chunks):
            map_cps[c].wait()

            @plsc.parallel_loop(c * grp_per_chunk, (c + 1) * grp_per_chunk,
                                unroll=2)
            def body(g):
                addr = jnp.zeros((L,), jnp.int32)
                mb = (g >> 3) * 1024 + (g & 7) * L
                for j in range(N_BITS):
                    mj = map_v[pl.ds(mb + j * 128, L)]
                    bit = plsc.load_gather(x_v, [mj])
                    addr = addr | (bit << j)
                n0 = base + g * L
                flat = (((n0 >> 3) << 11) + lane_part
                        + ((addr >> 7) << 10) + (addr & 127))
                idx_v[g >> 3, pl.ds((g & 7) * L, L)] = flat

            for t in range(c * blk_per_chunk, (c + 1) * blk_per_chunk):
                gathers.append(
                    pltpu.async_copy(mem_hbm.at[idx_v.at[t]],
                                     res_v.at[pl.ds(t * 128, 128)], g_sem))
        for cp in gathers:
            cp.wait()
        pltpu.sync_copy(res_v, out_hbm.at[pl.ds(base, N_PER_W)])

    return ram_lookup


_RAM_LOOKUP = _build()


@jax.jit
def kernel(x, mapping, memory):
    mem_phys = memory.reshape(8192, 8, 2, 128).transpose(0, 2, 1, 3).reshape(-1)
    map_phys = mapping.T.reshape(N_BITS, 512, 128).transpose(1, 0, 2).reshape(-1)
    return _RAM_LOOKUP(x, map_phys, mem_phys)

# --- scband reference (transcript-rebuilt; emitter-appended) ---
"""Pipeline reference for scband-single-ram-30202210025967 (READ-ONLY COPY).

The authoritative reference and input builder live on the scoring server;
editing this copy changes nothing except your own understanding.
"""

import jax, jax.numpy as jnp
import numpy as np

INPUT_BITS = 16384
OUTPUT_BITS = 65536
N_BITS = 8  # min(input_bits, 8)


def setup_inputs(seed: int = 0) -> dict:
    key = jax.random.key(seed)
    k1, k2, k3 = jax.random.split(key, 3)
    # binary input vector (single sample; forward does squeeze().unsqueeze(0))
    x = jax.random.randint(k1, (INPUT_BITS,), 0, 2, dtype=jnp.int32)
    # random connectivity: each of the OUTPUT_BITS RAM neurons reads N_BITS input bits
    mapping = jax.random.randint(k2, (OUTPUT_BITS, N_BITS), 0, INPUT_BITS, dtype=jnp.int32)
    # learned RAM contents: one 2^N_BITS-cell table per neuron
    memory = jax.random.uniform(k3, (OUTPUT_BITS, 2 ** N_BITS), dtype=jnp.float32)
    return {"x": x, "mapping": mapping, "memory": memory}


def reference(x, mapping, memory):
    # x: [INPUT_BITS] binary; mapping: [OUTPUT_BITS, N_BITS]; memory: [OUTPUT_BITS, 2^N_BITS]
    xb = jnp.reshape(x, (-1,))  # squeeze
    # gather the bits each neuron looks at
    bits = jnp.take(xb, mapping)  # [OUTPUT_BITS, N_BITS]
    # pack bits into a RAM address per neuron
    powers = (2 ** jnp.arange(N_BITS)).astype(jnp.int32)  # [N_BITS]
    addr = jnp.sum(bits * powers[None, :], axis=-1)  # [OUTPUT_BITS]
    # per-neuron RAM lookup (gather along the cell axis)
    out = jnp.take_along_axis(memory, addr[:, None], axis=1)[:, 0]  # [OUTPUT_BITS]
    return out  # squeeze() of the [1, OUTPUT_BITS] batch

if __name__ == "__main__":
    import jax
    _d = setup_inputs()
    print(jax.jit(kernel)(*tuple(_d.values())))

</pallas_src>

<mosaic_0001>
#map = affine_map<(d0, d1) -> (0)>
module attributes {stable_mosaic.version = 14 : i64} {
  func.func @ram_lookup(%arg0: i32, %arg1: i32, %arg2: memref<16384xi32, #tpu.memory_space<hbm>>, %arg3: memref<524288xi32, #tpu.memory_space<hbm>>, %arg4: memref<16777216xf32, #tpu.memory_space<hbm>>, %arg5: memref<65536xf32, #tpu.memory_space<hbm>>, %arg6: memref<16384xi32, #tpu.memory_space<vmem>>, %arg7: memref<16384xi32, #tpu.memory_space<vmem_shared>>, %arg8: memref<16384xi32, #tpu.memory_space<vmem>>, %arg9: memref<16x128xi32, #tpu.memory_space<vmem>>, %arg10: memref<2048xf32, #tpu.memory_space<vmem>>, %arg11: memref<!tpu.dma_semaphore, #tpu.memory_space<semaphore_mem>>, %arg12: memref<!tpu.dma_semaphore, #tpu.memory_space<semaphore_mem>>, %arg13: memref<!tpu.dma_semaphore, #tpu.memory_space<semaphore_mem>>) attributes {dimension_semantics = [#tpu.dimension_semantics<core_parallel>, #tpu.dimension_semantics<subcore_parallel>], iteration_bounds = array<i64: 2, 16>, scalar_prefetch = 0 : i64, scratch_operands = 8 : i64, tpu.core_type = #tpu.core_type<sc_vector_subcore>, window_params = [{transform_indices = #map}, {transform_indices = #map}, {transform_indices = #map}, {transform_indices = #map}]} {
    %mul3A = arith.constant 2 : i32
    %mul3A_0 = arith.muli %arg1, %mul3A : i32
    %add3A = arith.addi %mul3A_0, %arg0 : i32
    %mul3A_1 = arith.constant 2048 : i32
    %mul3A_2 = arith.muli %add3A, %mul3A_1 : i32
    %mul3A_3 = arith.constant 8 : i32
    %mul3A_4 = arith.muli %mul3A_2, %mul3A_3 : i32
    %add3A_5 = arith.constant 0 : i32
    %add3A_6 = arith.addi %mul3A_4, %add3A_5 : i32
    %dma_start3A = arith.constant 0 : i32
    %dma_start3A_7 = tpu.memref_slice %arg8[%dma_start3A] : memref<16384xi32, #tpu.memory_space<vmem>> -> memref<4096xi32, #tpu.memory_space<vmem>>
    %dma_start3A_8 = tpu.memref_slice %arg3[%add3A_6] : memref<524288xi32, #tpu.memory_space<hbm>> -> memref<4096xi32, #tpu.memory_space<hbm>>
    %dma_start3A_9 = arith.constant 0 : i32
    %dma_start3A_10 = tpu.memref_slice %arg8[%dma_start3A_9] : memref<16384xi32, #tpu.memory_space<vmem>> -> memref<4096xi32, #tpu.memory_space<vmem>>
    %dma_start3A_11 = tpu.memref_slice %arg3[%add3A_6] : memref<524288xi32, #tpu.memory_space<hbm>> -> memref<4096xi32, #tpu.memory_space<hbm>>
    tpu.enqueue_dma source(%dma_start3A_11 : memref<4096xi32, #tpu.memory_space<hbm>>) target(%dma_start3A_10 : memref<4096xi32, #tpu.memory_space<vmem>>) target_semaphore(%arg12 : memref<!tpu.dma_semaphore, #tpu.memory_space<semaphore_mem>>)
    %mul3A_12 = arith.constant 8 : i32
    %mul3A_13 = arith.muli %mul3A_2, %mul3A_12 : i32
    %add3A_14 = arith.constant 4096 : i32
    %add3A_15 = arith.addi %mul3A_13, %add3A_14 : i32
    %dma_start3A_16 = arith.constant 4096 : i32
    %dma_start3A_17 = tpu.memref_slice %arg8[%dma_start3A_16] : memref<16384xi32, #tpu.memory_space<vmem>> -> memref<4096xi32, #tpu.memory_space<vmem>>
    %dma_start3A_18 = tpu.memref_slice %arg3[%add3A_15] : memref<524288xi32, #tpu.memory_space<hbm>> -> memref<4096xi32, #tpu.memory_space<hbm>>
    %dma_start3A_19 = arith.constant 4096 : i32
    %dma_start3A_20 = tpu.memref_slice %arg8[%dma_start3A_19] : memref<16384xi32, #tpu.memory_space<vmem>> -> memref<4096xi32, #tpu.memory_space<vmem>>
    %dma_start3A_21 = tpu.memref_slice %arg3[%add3A_15] : memref<524288xi32, #tpu.memory_space<hbm>> -> memref<4096xi32, #tpu.memory_space<hbm>>
    tpu.enqueue_dma source(%dma_start3A_21 : memref<4096xi32, #tpu.memory_space<hbm>>) target(%dma_start3A_20 : memref<4096xi32, #tpu.memory_space<vmem>>) target_semaphore(%arg12 : memref<!tpu.dma_semaphore, #tpu.memory_space<semaphore_mem>>)
    %mul3A_22 = arith.constant 8 : i32
    %mul3A_23 = arith.muli %mul3A_2, %mul3A_22 : i32
    %add3A_24 = arith.constant 8192 : i32
    %add3A_25 = arith.addi %mul3A_23, %add3A_24 : i32
    %dma_start3A_26 = arith.constant 8192 : i32
    %dma_start3A_27 = tpu.memref_slice %arg8[%dma_start3A_26] : memref<16384xi32, #tpu.memory_space<vmem>> -> memref<4096xi32, #tpu.memory_space<vmem>>
    %dma_start3A_28 = tpu.memref_slice %arg3[%add3A_25] : memref<524288xi32, #tpu.memory_space<hbm>> -> memref<4096xi32, #tpu.memory_space<hbm>>
    %dma_start3A_29 = arith.constant 8192 : i32
    %dma_start3A_30 = tpu.memref_slice %arg8[%dma_start3A_29] : memref<16384xi32, #tpu.memory_space<vmem>> -> memref<4096xi32, #tpu.memory_space<vmem>>
    %dma_start3A_31 = tpu.memref_slice %arg3[%add3A_25] : memref<524288xi32, #tpu.memory_space<hbm>> -> memref<4096xi32, #tpu.memory_space<hbm>>
    tpu.enqueue_dma source(%dma_start3A_31 : memref<4096xi32, #tpu.memory_space<hbm>>) target(%dma_start3A_30 : memref<4096xi32, #tpu.memory_space<vmem>>) target_semaphore(%arg12 : memref<!tpu.dma_semaphore, #tpu.memory_space<semaphore_mem>>)
    %mul3A_32 = arith.constant 8 : i32
    %mul3A_33 = arith.muli %mul3A_2, %mul3A_32 : i32
    %add3A_34 = arith.constant 12288 : i32
    %add3A_35 = arith.addi %mul3A_33, %add3A_34 : i32
    %dma_start3A_36 = arith.constant 12288 : i32
    %dma_start3A_37 = tpu.memref_slice %arg8[%dma_start3A_36] : memref<16384xi32, #tpu.memory_space<vmem>> -> memref<4096xi32, #tpu.memory_space<vmem>>
    %dma_start3A_38 = tpu.memref_slice %arg3[%add3A_35] : memref<524288xi32, #tpu.memory_space<hbm>> -> memref<4096xi32, #tpu.memory_space<hbm>>
    %dma_start3A_39 = arith.constant 12288 : i32
    %dma_start3A_40 = tpu.memref_slice %arg8[%dma_start3A_39] : memref<16384xi32, #tpu.memory_space<vmem>> -> memref<4096xi32, #tpu.memory_space<vmem>>
    %dma_start3A_41 = tpu.memref_slice %arg3[%add3A_35] : memref<524288xi32, #tpu.memory_space<hbm>> -> memref<4096xi32, #tpu.memory_space<hbm>>
    tpu.enqueue_dma source(%dma_start3A_41 : memref<4096xi32, #tpu.memory_space<hbm>>) target(%dma_start3A_40 : memref<4096xi32, #tpu.memory_space<vmem>>) target_semaphore(%arg12 : memref<!tpu.dma_semaphore, #tpu.memory_space<semaphore_mem>>)
    %eq3A = arith.constant 0 : i32
    %eq3A_42 = arith.cmpi eq, %arg1, %eq3A : i32
    %convert_element_type3A = arith.extui %eq3A_42 : i1 to i32
    %cond3A = arith.constant 0 : i32
    %cond3A_43 = arith.cmpi ne, %convert_element_type3A, %cond3A : i32
    scf.if %cond3A_43 {
      "tpu.region"() ({
        %run_scoped3A = tpu.sem_alloc : memref<!tpu.dma_semaphore, #tpu.memory_space<semaphore_mem>>
        tpu.enqueue_dma source(%arg2 : memref<16384xi32, #tpu.memory_space<hbm>>) target(%arg7 : memref<16384xi32, #tpu.memory_space<vmem_shared>>) target_semaphore(%run_scoped3A : memref<!tpu.dma_semaphore, #tpu.memory_space<semaphore_mem>>)
        tpu.wait_dma2 semaphore(%run_scoped3A : memref<!tpu.dma_semaphore, #tpu.memory_space<semaphore_mem>>) src(%arg2 : memref<16384xi32, #tpu.memory_space<hbm>>) dst(%arg7 : memref<16384xi32, #tpu.memory_space<vmem_shared>>)
        tpu.yield
      }) : () -> ()
    } else {
    }
    %barrier3A = arith.constant 0 : index
    tpu.barrier barrier_id(%barrier3A)
    tpu.enqueue_dma source(%arg7 : memref<16384xi32, #tpu.memory_space<vmem_shared>>) target(%arg6 : memref<16384xi32, #tpu.memory_space<vmem>>) target_semaphore(%arg11 : memref<!tpu.dma_semaphore, #tpu.memory_space<semaphore_mem>>)
    tpu.wait_dma2 semaphore(%arg11 : memref<!tpu.dma_semaphore, #tpu.memory_space<semaphore_mem>>) src(%arg7 : memref<16384xi32, #tpu.memory_space<vmem_shared>>) dst(%arg6 : memref<16384xi32, #tpu.memory_space<vmem>>)
    %iota3A = tpu.iota {dimensions = array<i32: 0>} : vector<16xi32>
    %shift_right_arithmetic3A = arith.constant 3 : i32
    %shift_right_arithmetic3A_44 = vector.broadcast %shift_right_arithmetic3A : i32 to vector<16xi32>
    %shift_right_arithmetic3A_45 = arith.shrsi %iota3A, %shift_right_arithmetic3A_44 : vector<16xi32>
    %shift_left3A = arith.constant 11 : i32
    %shift_left3A_46 = vector.broadcast %shift_left3A : i32 to vector<16xi32>
    %shift_left3A_47 = arith.shli %shift_right_arithmetic3A_45, %shift_left3A_46 : vector<16xi32>
    %and3A = arith.constant 7 : i32
    %and3A_48 = vector.broadcast %and3A : i32 to vector<16xi32>
    %and3A_49 = arith.andi %iota3A, %and3A_48 : vector<16xi32>
    %shift_left3A_50 = arith.constant 7 : i32
    %shift_left3A_51 = vector.broadcast %shift_left3A_50 : i32 to vector<16xi32>
    %shift_left3A_52 = arith.shli %and3A_49, %shift_left3A_51 : vector<16xi32>
    %or3A = arith.ori %shift_left3A_47, %shift_left3A_52 : vector<16xi32>
    %dma_wait3A = arith.constant 0 : i32
    %dma_wait3A_53 = tpu.memref_slice %arg8[%dma_wait3A] : memref<16384xi32, #tpu.memory_space<vmem>> -> memref<4096xi32, #tpu.memory_space<vmem>>
    %dma_wait3A_54 = tpu.memref_slice %arg3[%add3A_6] : memref<524288xi32, #tpu.memory_space<hbm>> -> memref<4096xi32, #tpu.memory_space<hbm>>
    %dma_wait3A_55 = arith.constant 0 : i32
    %dma_wait3A_56 = tpu.memref_slice %arg8[%dma_wait3A_55] : memref<16384xi32, #tpu.memory_space<vmem>> -> memref<4096xi32, #tpu.memory_space<vmem>>
    %dma_wait3A_57 = tpu.memref_slice %arg3[%add3A_6] : memref<524288xi32, #tpu.memory_space<hbm>> -> memref<4096xi32, #tpu.memory_space<hbm>>
    tpu.wait_dma2 semaphore(%arg12 : memref<!tpu.dma_semaphore, #tpu.memory_space<semaphore_mem>>) src(%dma_wait3A_57 : memref<4096xi32, #tpu.memory_space<hbm>>) dst(%dma_wait3A_56 : memref<4096xi32, #tpu.memory_space<vmem>>)
    %parallel_loop3A = arith.constant 0 : i32
    %parallel_loop3A_58 = arith.constant 32 : i32
    %parallel_loop3A_59 = arith.constant 1 : i32
    scf.for %parallel_loop3A_343 = %parallel_loop3A to %parallel_loop3A_58 step %parallel_loop3A_59  : i32 {
      %parallel_loop3A_344 = arith.constant 0 : i32
      %parallel_loop3A_345 = vector.broadcast %parallel_loop3A_344 : i32 to vector<16xi32>
      %parallel_loop3A_346 = arith.constant 3 : i32
      %parallel_loop3A_347 = arith.shrsi %parallel_loop3A_343, %parallel_loop3A_346 : i32
      %parallel_loop3A_348 = arith.constant 1024 : i32
      %parallel_loop3A_349 = arith.muli %parallel_loop3A_347, %parallel_loop3A_348 : i32
      %parallel_loop3A_350 = arith.constant 7 : i32
      %parallel_loop3A_351 = arith.andi %parallel_loop3A_343, %parallel_loop3A_350 : i32
      %parallel_loop3A_352 = arith.constant 16 : i32
      %parallel_loop3A_353 = arith.muli %parallel_loop3A_351, %parallel_loop3A_352 : i32
      %parallel_loop3A_354 = arith.addi %parallel_loop3A_349, %parallel_loop3A_353 : i32
      %parallel_loop3A_355 = arith.constant 0 : i32
      %parallel_loop3A_356 = arith.addi %parallel_loop3A_354, %parallel_loop3A_355 : i32
      %parallel_loop3A_357 = arith.index_cast %parallel_loop3A_356 : i32 to index
      %parallel_loop3A_358 = tpu.vector_load %arg8[%parallel_loop3A_357] {strides = array<i32>} : memref<16384xi32, #tpu.memory_space<vmem>>, vector<16xi32>,
      %parallel_loop3A_359 = tpu.vector_load_idx %arg6[%parallel_loop3A_358] : memref<16384xi32, #tpu.memory_space<vmem>>[vector<16xi32>], vector<16xi32>,
      %parallel_loop3A_360 = arith.constant 0 : i32
      %parallel_loop3A_361 = vector.broadcast %parallel_loop3A_360 : i32 to vector<16xi32>
      %parallel_loop3A_362 = arith.shli %parallel_loop3A_359, %parallel_loop3A_361 : vector<16xi32>
      %parallel_loop3A_363 = arith.ori %parallel_loop3A_345, %parallel_loop3A_362 : vector<16xi32>
      %parallel_loop3A_364 = arith.constant 128 : i32
      %parallel_loop3A_365 = arith.addi %parallel_loop3A_354, %parallel_loop3A_364 : i32
      %parallel_loop3A_366 = arith.index_cast %parallel_loop3A_365 : i32 to index
      %parallel_loop3A_367 = tpu.vector_load %arg8[%parallel_loop3A_366] {strides = array<i32>} : memref<16384xi32, #tpu.memory_space<vmem>>, vector<16xi32>,
      %parallel_loop3A_368 = tpu.vector_load_idx %arg6[%parallel_loop3A_367] : memref<16384xi32, #tpu.memory_space<vmem>>[vector<16xi32>], vector<16xi32>,
      %parallel_loop3A_369 = arith.constant 1 : i32
      %parallel_loop3A_370 = vector.broadcast %parallel_loop3A_369 : i32 to vector<16xi32>
      %parallel_loop3A_371 = arith.shli %parallel_loop3A_368, %parallel_loop3A_370 : vector<16xi32>
      %parallel_loop3A_372 = arith.ori %parallel_loop3A_363, %parallel_loop3A_371 : vector<16xi32>
      %parallel_loop3A_373 = arith.constant 256 : i32
      %parallel_loop3A_374 = arith.addi %parallel_loop3A_354, %parallel_loop3A_373 : i32
      %parallel_loop3A_375 = arith.index_cast %parallel_loop3A_374 : i32 to index
      %parallel_loop3A_376 = tpu.vector_load %arg8[%parallel_loop3A_375] {strides = array<i32>} : memref<16384xi32, #tpu.memory_space<vmem>>, vector<16xi32>,
      %parallel_loop3A_377 = tpu.vector_load_idx %arg6[%parallel_loop3A_376] : memref<16384xi32, #tpu.memory_space<vmem>>[vector<16xi32>], vector<16xi32>,
      %parallel_loop3A_378 = arith.constant 2 : i32
      %parallel_loop3A_379 = vector.broadcast %parallel_loop3A_378 : i32 to vector<16xi32>
      %parallel_loop3A_380 = arith.shli %parallel_loop3A_377, %parallel_loop3A_379 : vector<16xi32>
      %parallel_loop3A_381 = arith.ori %parallel_loop3A_372, %parallel_loop3A_380 : vector<16xi32>
      %parallel_loop3A_382 = arith.constant 384 : i32
      %parallel_loop3A_383 = arith.addi %parallel_loop3A_354, %parallel_loop3A_382 : i32
      %parallel_loop3A_384 = arith.index_cast %parallel_loop3A_383 : i32 to index
      %parallel_loop3A_385 = tpu.vector_load %arg8[%parallel_loop3A_384] {strides = array<i32>} : memref<16384xi32, #tpu.memory_space<vmem>>, vector<16xi32>,
      %parallel_loop3A_386 = tpu.vector_load_idx %arg6[%parallel_loop3A_385] : memref<16384xi32, #tpu.memory_space<vmem>>[vector<16xi32>], vector<16xi32>,
      %parallel_loop3A_387 = arith.constant 3 : i32
      %parallel_loop3A_388 = vector.broadcast %parallel_loop3A_387 : i32 to vector<16xi32>
      %parallel_loop3A_389 = arith.shli %parallel_loop3A_386, %parallel_loop3A_388 : vector<16xi32>
      %parallel_loop3A_390 = arith.ori %parallel_loop3A_381, %parallel_loop3A_389 : vector<16xi32>
      %parallel_loop3A_391 = arith.constant 512 : i32
      %parallel_loop3A_392 = arith.addi %parallel_loop3A_354, %parallel_loop3A_391 : i32
      %parallel_loop3A_393 = arith.index_cast %parallel_loop3A_392 : i32 to index
      %parallel_loop3A_394 = tpu.vector_load %arg8[%parallel_loop3A_393] {strides = array<i32>} : memref<16384xi32, #tpu.memory_space<vmem>>, vector<16xi32>,
      %parallel_loop3A_395 = tpu.vector_load_idx %arg6[%parallel_loop3A_394] : memref<16384xi32, #tpu.memory_space<vmem>>[vector<16xi32>], vector<16xi32>,
      %parallel_loop3A_396 = arith.constant 4 : i32
      %parallel_loop3A_397 = vector.broadcast %parallel_loop3A_396 : i32 to vector<16xi32>
      %parallel_loop3A_398 = arith.shli %parallel_loop3A_395, %parallel_loop3A_397 : vector<16xi32>
      %parallel_loop3A_399 = arith.ori %parallel_loop3A_390, %parallel_loop3A_398 : vector<16xi32>
      %parallel_loop3A_400 = arith.constant 640 : i32
      %parallel_loop3A_401 = arith.addi %parallel_loop3A_354, %parallel_loop3A_400 : i32
      %parallel_loop3A_402 = arith.index_cast %parallel_loop3A_401 : i32 to index
      %parallel_loop3A_403 = tpu.vector_load %arg8[%parallel_loop3A_402] {strides = array<i32>} : memref<16384xi32, #tpu.memory_space<vmem>>, vector<16xi32>,
      %parallel_loop3A_404 = tpu.vector_load_idx %arg6[%parallel_loop3A_403] : memref<16384xi32, #tpu.memory_space<vmem>>[vector<16xi32>], vector<16xi32>,
      %parallel_loop3A_405 = arith.constant 5 : i32
      %parallel_loop3A_406 = vector.broadcast %parallel_loop3A_405 : i32 to vector<16xi32>
      %parallel_loop3A_407 = arith.shli %parallel_loop3A_404, %parallel_loop3A_406 : vector<16xi32>
      %parallel_loop3A_408 = arith.ori %parallel_loop3A_399, %parallel_loop3A_407 : vector<16xi32>
      %parallel_loop3A_409 = arith.constant 768 : i32
      %parallel_loop3A_410 = arith.addi %parallel_loop3A_354, %parallel_loop3A_409 : i32
      %parallel_loop3A_411 = arith.index_cast %parallel_loop3A_410 : i32 to index
      %parallel_loop3A_412 = tpu.vector_load %arg8[%parallel_loop3A_411] {strides = array<i32>} : memref<16384xi32, #tpu.memory_space<vmem>>, vector<16xi32>,
      %parallel_loop3A_413 = tpu.vector_load_idx %arg6[%parallel_loop3A_412] : memref<16384xi32, #tpu.memory_space<vmem>>[vector<16xi32>], vector<16xi32>,
      %parallel_loop3A_414 = arith.constant 6 : i32
      %parallel_loop3A_415 = vector.broadcast %parallel_loop3A_414 : i32 to vector<16xi32>
      %parallel_loop3A_416 = arith.shli %parallel_loop3A_413, %parallel_loop3A_415 : vector<16xi32>
      %parallel_loop3A_417 = arith.ori %parallel_loop3A_408, %parallel_loop3A_416 : vector<16xi32>
      %parallel_loop3A_418 = arith.constant 896 : i32
      %parallel_loop3A_419 = arith.addi %parallel_loop3A_354, %parallel_loop3A_418 : i32
      %parallel_loop3A_420 = arith.index_cast %parallel_loop3A_419 : i32 to index
      %parallel_loop3A_421 = tpu.vector_load %arg8[%parallel_loop3A_420] {strides = array<i32>} : memref<16384xi32, #tpu.memory_space<vmem>>, vector<16xi32>,
      %parallel_loop3A_422 = tpu.vector_load_idx %arg6[%parallel_loop3A_421] : memref<16384xi32, #tpu.memory_space<vmem>>[vector<16xi32>], vector<16xi32>,
      %parallel_loop3A_423 = arith.constant 7 : i32
      %parallel_loop3A_424 = vector.broadcast %parallel_loop3A_423 : i32 to vector<16xi32>
      %parallel_loop3A_425 = arith.shli %parallel_loop3A_422, %parallel_loop3A_424 : vector<16xi32>
      %parallel_loop3A_426 = arith.ori %parallel_loop3A_417, %parallel_loop3A_425 : vector<16xi32>
      %parallel_loop3A_427 = arith.constant 16 : i32
      %parallel_loop3A_428 = arith.muli %parallel_loop3A_343, %parallel_loop3A_427 : i32
      %parallel_loop3A_429 = arith.addi %mul3A_2, %parallel_loop3A_428 : i32
      %parallel_loop3A_430 = arith.constant 3 : i32
      %parallel_loop3A_431 = arith.shrsi %parallel_loop3A_429, %parallel_loop3A_430 : i32
      %parallel_loop3A_432 = arith.constant 11 : i32
      %parallel_loop3A_433 = arith.shli %parallel_loop3A_431, %parallel_loop3A_432 : i32
      %parallel_loop3A_434 = vector.broadcast %parallel_loop3A_433 : i32 to vector<16xi32>
      %parallel_loop3A_435 = arith.addi %parallel_loop3A_434, %or3A : vector<16xi32>
      %parallel_loop3A_436 = arith.constant 7 : i32
      %parallel_loop3A_437 = vector.broadcast %parallel_loop3A_436 : i32 to vector<16xi32>
      %parallel_loop3A_438 = arith.shrsi %parallel_loop3A_426, %parallel_loop3A_437 : vector<16xi32>
      %parallel_loop3A_439 = arith.constant 10 : i32
      %parallel_loop3A_440 = vector.broadcast %parallel_loop3A_439 : i32 to vector<16xi32>
      %parallel_loop3A_441 = arith.shli %parallel_loop3A_438, %parallel_loop3A_440 : vector<16xi32>
      %parallel_loop3A_442 = arith.addi %parallel_loop3A_435, %parallel_loop3A_441 : vector<16xi32>
      %parallel_loop3A_443 = arith.constant 127 : i32
      %parallel_loop3A_444 = vector.broadcast %parallel_loop3A_443 : i32 to vector<16xi32>
      %parallel_loop3A_445 = arith.andi %parallel_loop3A_426, %parallel_loop3A_444 : vector<16xi32>
      %parallel_loop3A_446 = arith.addi %parallel_loop3A_442, %parallel_loop3A_445 : vector<16xi32>
      %parallel_loop3A_447 = arith.constant 3 : i32
      %parallel_loop3A_448 = arith.shrsi %parallel_loop3A_343, %parallel_loop3A_447 : i32
      %parallel_loop3A_449 = arith.constant 7 : i32
      %parallel_loop3A_450 = arith.andi %parallel_loop3A_343, %parallel_loop3A_449 : i32
      %parallel_loop3A_451 = arith.constant 16 : i32
      %parallel_loop3A_452 = arith.muli %parallel_loop3A_450, %parallel_loop3A_451 : i32
      %parallel_loop3A_453 = arith.index_cast %parallel_loop3A_448 : i32 to index
      %parallel_loop3A_454 = arith.index_cast %parallel_loop3A_452 : i32 to index
      %parallel_loop3A_455 = tpu.vector_load %arg9[%parallel_loop3A_453, %parallel_loop3A_454] {strides = array<i32>} : memref<16x128xi32, #tpu.memory_space<vmem>>, vector<16xi32>,
      tpu.vector_store %arg9[%parallel_loop3A_453, %parallel_loop3A_454], %parallel_loop3A_446 {strides = array<i32>} : memref<16x128xi32, #tpu.memory_space<vmem>>, vector<16xi32>,
    } {sc.loop_unroll_factor = 2 : i64, sc.parallel_access}
    %dma_start3A_60 = arith.constant 0 : i32
    %dma_start3A_61 = arith.constant 0 : i32
    %dma_start3A_62 = tpu.memref_slice %arg10[%dma_start3A_61] : memref<2048xf32, #tpu.memory_space<vmem>> -> memref<128xf32, #tpu.memory_space<vmem>>
    %dma_start3A_63 = arith.constant 0 : i32
    %dma_start3A_64 = tpu.memref_slice %arg9[%dma_start3A_60, %dma_start3A_63] : memref<16x128xi32, #tpu.memory_space<vmem>> -> memref<1x128xi32, #tpu.memory_space<vmem>>
    %dma_start3A_65 = tpu.memref_squeeze %dma_start3A_64 : memref<1x128xi32, #tpu.memory_space<vmem>> -> memref<128xi32, #tpu.memory_space<vmem>>
    %dma_start3A_66 = arith.constant 0 : i32
    %dma_start3A_67 = tpu.memref_slice %arg4[%dma_start3A_66] : memref<16777216xf32, #tpu.memory_space<hbm>> -> memref<16777216xf32, #tpu.memory_space<hbm>>
    tpu.enqueue_indirect_dma source(%dma_start3A_67 : memref<16777216xf32, #tpu.memory_space<hbm>>) target(%dma_start3A_62 : memref<128xf32, #tpu.memory_space<vmem>>) offsets(%dma_start3A_65 : memref<128xi32, #tpu.memory_space<vmem>>) semaphore(%arg13 : memref<!tpu.dma_semaphore, #tpu.memory_space<semaphore_mem>>)
    %dma_start3A_68 = arith.constant 1 : i32
    %dma_start3A_69 = arith.constant 128 : i32
    %dma_start3A_70 = tpu.memref_slice %arg10[%dma_start3A_69] : memref<2048xf32, #tpu.memory_space<vmem>> -> memref<128xf32, #tpu.memory_space<vmem>>
    %dma_start3A_71 = arith.constant 0 : i32
    %dma_start3A_72 = tpu.memref_slice %arg9[%dma_start3A_68, %dma_start3A_71] : memref<16x128xi32, #tpu.memory_space<vmem>> -> memref<1x128xi32, #tpu.memory_space<vmem>>
    %dma_start3A_73 = tpu.memref_squeeze %dma_start3A_72 : memref<1x128xi32, #tpu.memory_space<vmem>> -> memref<128xi32, #tpu.memory_space<vmem>>
    %dma_start3A_74 = arith.constant 0 : i32
    %dma_start3A_75 = tpu.memref_slice %arg4[%dma_start3A_74] : memref<16777216xf32, #tpu.memory_space<hbm>> -> memref<16777216xf32, #tpu.memory_space<hbm>>
    tpu.enqueue_indirect_dma source(%dma_start3A_75 : memref<16777216xf32, #tpu.memory_space<hbm>>) target(%dma_start3A_70 : memref<128xf32, #tpu.memory_space<vmem>>) offsets(%dma_start3A_73 : memref<128xi32, #tpu.memory_space<vmem>>) semaphore(%arg13 : memref<!tpu.dma_semaphore, #tpu.memory_space<semaphore_mem>>)
    %dma_start3A_76 = arith.constant 2 : i32
    %dma_start3A_77 = arith.constant 256 : i32
    %dma_start3A_78 = tpu.memref_slice %arg10[%dma_start3A_77] : memref<2048xf32, #tpu.memory_space<vmem>> -> memref<128xf32, #tpu.memory_space<vmem>>
    %dma_start3A_79 = arith.constant 0 : i32
    %dma_start3A_80 = tpu.memref_slice %arg9[%dma_start3A_76, %dma_start3A_79] : memref<16x128xi32, #tpu.memory_space<vmem>> -> memref<1x128xi32, #tpu.memory_space<vmem>>
    %dma_start3A_81 = tpu.memref_squeeze %dma_start3A_80 : memref<1x128xi32, #tpu.memory_space<vmem>> -> memref<128xi32, #tpu.memory_space<vmem>>
    %dma_start3A_82 = arith.constant 0 : i32
    %dma_start3A_83 = tpu.memref_slice %arg4[%dma_start3A_82] : memref<16777216xf32, #tpu.memory_space<hbm>> -> memref<16777216xf32, #tpu.memory_space<hbm>>
    tpu.enqueue_indirect_dma source(%dma_start3A_83 : memref<16777216xf32, #tpu.memory_space<hbm>>) target(%dma_start3A_78 : memref<128xf32, #tpu.memory_space<vmem>>) offsets(%dma_start3A_81 : memref<128xi32, #tpu.memory_space<vmem>>) semaphore(%arg13 : memref<!tpu.dma_semaphore, #tpu.memory_space<semaphore_mem>>)
    %dma_start3A_84 = arith.constant 3 : i32
    %dma_start3A_85 = arith.constant 384 : i32
    %dma_start3A_86 = tpu.memref_slice %arg10[%dma_start3A_85] : memref<2048xf32, #tpu.memory_space<vmem>> -> memref<128xf32, #tpu.memory_space<vmem>>
    %dma_start3A_87 = arith.constant 0 : i32
    %dma_start3A_88 = tpu.memref_slice %arg9[%dma_start3A_84, %dma_start3A_87] : memref<16x128xi32, #tpu.memory_space<vmem>> -> memref<1x128xi32, #tpu.memory_space<vmem>>
    %dma_start3A_89 = tpu.memref_squeeze %dma_start3A_88 : memref<1x128xi32, #tpu.memory_space<vmem>> -> memref<128xi32, #tpu.memory_space<vmem>>
    %dma_start3A_90 = arith.constant 0 : i32
    %dma_start3A_91 = tpu.memref_slice %arg4[%dma_start3A_90] : memref<16777216xf32, #tpu.memory_space<hbm>> -> memref<16777216xf32, #tpu.memory_space<hbm>>
    tpu.enqueue_indirect_dma source(%dma_start3A_91 : memref<16777216xf32, #tpu.memory_space<hbm>>) target(%dma_start3A_86 : memref<128xf32, #tpu.memory_space<vmem>>) offsets(%dma_start3A_89 : memref<128xi32, #tpu.memory_space<vmem>>) semaphore(%arg13 : memref<!tpu.dma_semaphore, #tpu.memory_space<semaphore_mem>>)
    %dma_wait3A_92 = arith.constant 4096 : i32
    %dma_wait3A_93 = tpu.memref_slice %arg8[%dma_wait3A_92] : memref<16384xi32, #tpu.memory_space<vmem>> -> memref<4096xi32, #tpu.memory_space<vmem>>
    %dma_wait3A_94 = tpu.memref_slice %arg3[%add3A_15] : memref<524288xi32, #tpu.memory_space<hbm>> -> memref<4096xi32, #tpu.memory_space<hbm>>
    %dma_wait3A_95 = arith.constant 4096 : i32
    %dma_wait3A_96 = tpu.memref_slice %arg8[%dma_wait3A_95] : memref<16384xi32, #tpu.memory_space<vmem>> -> memref<4096xi32, #tpu.memory_space<vmem>>
    %dma_wait3A_97 = tpu.memref_slice %arg3[%add3A_15] : memref<524288xi32, #tpu.memory_space<hbm>> -> memref<4096xi32, #tpu.memory_space<hbm>>
    tpu.wait_dma2 semaphore(%arg12 : memref<!tpu.dma_semaphore, #tpu.memory_space<semaphore_mem>>) src(%dma_wait3A_97 : memref<4096xi32, #tpu.memory_space<hbm>>) dst(%dma_wait3A_96 : memref<4096xi32, #tpu.memory_space<vmem>>)
    %parallel_loop3A_98 = arith.constant 32 : i32
    %parallel_loop3A_99 = arith.constant 64 : i32
    %parallel_loop3A_100 = arith.constant 1 : i32
    scf.for %parallel_loop3A_343 = %parallel_loop3A_98 to %parallel_loop3A_99 step %parallel_loop3A_100  : i32 {
      %parallel_loop3A_344 = arith.constant 0 : i32
      %parallel_loop3A_345 = vector.broadcast %parallel_loop3A_344 : i32 to vector<16xi32>
      %parallel_loop3A_346 = arith.constant 3 : i32
      %parallel_loop3A_347 = arith.shrsi %parallel_loop3A_343, %parallel_loop3A_346 : i32
      %parallel_loop3A_348 = arith.constant 1024 : i32
      %parallel_loop3A_349 = arith.muli %parallel_loop3A_347, %parallel_loop3A_348 : i32
      %parallel_loop3A_350 = arith.constant 7 : i32
      %parallel_loop3A_351 = arith.andi %parallel_loop3A_343, %parallel_loop3A_350 : i32
      %parallel_loop3A_352 = arith.constant 16 : i32
      %parallel_loop3A_353 = arith.muli %parallel_loop3A_351, %parallel_loop3A_352 : i32
      %parallel_loop3A_354 = arith.addi %parallel_loop3A_349, %parallel_loop3A_353 : i32
      %parallel_loop3A_355 = arith.constant 0 : i32
      %parallel_loop3A_356 = arith.addi %parallel_loop3A_354, %parallel_loop3A_355 : i32
      %parallel_loop3A_357 = arith.index_cast %parallel_loop3A_356 : i32 to index
      %parallel_loop3A_358 = tpu.vector_load %arg8[%parallel_loop3A_357] {strides = array<i32>} : memref<16384xi32, #tpu.memory_space<vmem>>, vector<16xi32>,
      %parallel_loop3A_359 = tpu.vector_load_idx %arg6[%parallel_loop3A_358] : memref<16384xi32, #tpu.memory_space<vmem>>[vector<16xi32>], vector<16xi32>,
      %parallel_loop3A_360 = arith.constant 0 : i32
      %parallel_loop3A_361 = vector.broadcast %parallel_loop3A_360 : i32 to vector<16xi32>
      %parallel_loop3A_362 = arith.shli %parallel_loop3A_359, %parallel_loop3A_361 : vector<16xi32>
      %parallel_loop3A_363 = arith.ori %parallel_loop3A_345, %parallel_loop3A_362 : vector<16xi32>
      %parallel_loop3A_364 = arith.constant 128 : i32
      %parallel_loop3A_365 = arith.addi %parallel_loop3A_354, %parallel_loop3A_364 : i32
      %parallel_loop3A_366 = arith.index_cast %parallel_loop3A_365 : i32 to index
      %parallel_loop3A_367 = tpu.vector_load %arg8[%parallel_loop3A_366] {strides = array<i32>} : memref<16384xi32, #tpu.memory_space<vmem>>, vector<16xi32>,
      %parallel_loop3A_368 = tpu.vector_load_idx %arg6[%parallel_loop3A_367] : memref<16384xi32, #tpu.memory_space<vmem>>[vector<16xi32>], vector<16xi32>,
      %parallel_loop3A_369 = arith.constant 1 : i32
      %parallel_loop3A_370 = vector.broadcast %parallel_loop3A_369 : i32 to vector<16xi32>
      %parallel_loop3A_371 = arith.shli %parallel_loop3A_368, %parallel_loop3A_370 : vector<16xi32>
      %parallel_loop3A_372 = arith.ori %parallel_loop3A_363, %parallel_loop3A_371 : vector<16xi32>
      %parallel_loop3A_373 = arith.constant 256 : i32
      %parallel_loop3A_374 = arith.addi %parallel_loop3A_354, %parallel_loop3A_373 : i32
      %parallel_loop3A_375 = arith.index_cast %parallel_loop3A_374 : i32 to index
      %parallel_loop3A_376 = tpu.vector_load %arg8[%parallel_loop3A_375] {strides = array<i32>} : memref<16384xi32, #tpu.memory_space<vmem>>, vector<16xi32>,
      %parallel_loop3A_377 = tpu.vector_load_idx %arg6[%parallel_loop3A_376] : memref<16384xi32, #tpu.memory_space<vmem>>[vector<16xi32>], vector<16xi32>,
      %parallel_loop3A_378 = arith.constant 2 : i32
      %parallel_loop3A_379 = vector.broadcast %parallel_loop3A_378 : i32 to vector<16xi32>
      %parallel_loop3A_380 = arith.shli %parallel_loop3A_377, %parallel_loop3A_379 : vector<16xi32>
      %parallel_loop3A_381 = arith.ori %parallel_loop3A_372, %parallel_loop3A_380 : vector<16xi32>
      %parallel_loop3A_382 = arith.constant 384 : i32
      %parallel_loop3A_383 = arith.addi %parallel_loop3A_354, %parallel_loop3A_382 : i32
      %parallel_loop3A_384 = arith.index_cast %parallel_loop3A_383 : i32 to index
      %parallel_loop3A_385 = tpu.vector_load %arg8[%parallel_loop3A_384] {strides = array<i32>} : memref<16384xi32, #tpu.memory_space<vmem>>, vector<16xi32>,
      %parallel_loop3A_386 = tpu.vector_load_idx %arg6[%parallel_loop3A_385] : memref<16384xi32, #tpu.memory_space<vmem>>[vector<16xi32>], vector<16xi32>,
      %parallel_loop3A_387 = arith.constant 3 : i32
      %parallel_loop3A_388 = vector.broadcast %parallel_loop3A_387 : i32 to vector<16xi32>
      %parallel_loop3A_389 = arith.shli %parallel_loop3A_386, %parallel_loop3A_388 : vector<16xi32>
      %parallel_loop3A_390 = arith.ori %parallel_loop3A_381, %parallel_loop3A_389 : vector<16xi32>
      %parallel_loop3A_391 = arith.constant 512 : i32
      %parallel_loop3A_392 = arith.addi %parallel_loop3A_354, %parallel_loop3A_391 : i32
      %parallel_loop3A_393 = arith.index_cast %parallel_loop3A_392 : i32 to index
      %parallel_loop3A_394 = tpu.vector_load %arg8[%parallel_loop3A_393] {strides = array<i32>} : memref<16384xi32, #tpu.memory_space<vmem>>, vector<16xi32>,
      %parallel_loop3A_395 = tpu.vector_load_idx %arg6[%parallel_loop3A_394] : memref<16384xi32, #tpu.memory_space<vmem>>[vector<16xi32>], vector<16xi32>,
      %parallel_loop3A_396 = arith.constant 4 : i32
      %parallel_loop3A_397 = vector.broadcast %parallel_loop3A_396 : i32 to vector<16xi32>
      %parallel_loop3A_398 = arith.shli %parallel_loop3A_395, %parallel_loop3A_397 : vector<16xi32>
      %parallel_loop3A_399 = arith.ori %parallel_loop3A_390, %parallel_loop3A_398 : vector<16xi32>
      %parallel_loop3A_400 = arith.constant 640 : i32
      %parallel_loop3A_401 = arith.addi %parallel_loop3A_354, %parallel_loop3A_400 : i32
      %parallel_loop3A_402 = arith.index_cast %parallel_loop3A_401 : i32 to index
      %parallel_loop3A_403 = tpu.vector_load %arg8[%parallel_loop3A_402] {strides = array<i32>} : memref<16384xi32, #tpu.memory_space<vmem>>, vector<16xi32>,
      %parallel_loop3A_404 = tpu.vector_load_idx %arg6[%parallel_loop3A_403] : memref<16384xi32, #tpu.memory_space<vmem>>[vector<16xi32>], vector<16xi32>,
      %parallel_loop3A_405 = arith.constant 5 : i32
      %parallel_loop3A_406 = vector.broadcast %parallel_loop3A_405 : i32 to vector<16xi32>
      %parallel_loop3A_407 = arith.shli %parallel_loop3A_404, %parallel_loop3A_406 : vector<16xi32>
      %parallel_loop3A_408 = arith.ori %parallel_loop3A_399, %parallel_loop3A_407 : vector<16xi32>
      %parallel_loop3A_409 = arith.constant 768 : i32
      %parallel_loop3A_410 = arith.addi %parallel_loop3A_354, %parallel_loop3A_409 : i32
      %parallel_loop3A_411 = arith.index_cast %parallel_loop3A_410 : i32 to index
      %parallel_loop3A_412 = tpu.vector_load %arg8[%parallel_loop3A_411] {strides = array<i32>} : memref<16384xi32, #tpu.memory_space<vmem>>, vector<16xi32>,
      %parallel_loop3A_413 = tpu.vector_load_idx %arg6[%parallel_loop3A_412] : memref<16384xi32, #tpu.memory_space<vmem>>[vector<16xi32>], vector<16xi32>,
      %parallel_loop3A_414 = arith.constant 6 : i32
      %parallel_loop3A_415 = vector.broadcast %parallel_loop3A_414 : i32 to vector<16xi32>
      %parallel_loop3A_416 = arith.shli %parallel_loop3A_413, %parallel_loop3A_415 : vector<16xi32>
      %parallel_loop3A_417 = arith.ori %parallel_loop3A_408, %parallel_loop3A_416 : vector<16xi32>
      %parallel_loop3A_418 = arith.constant 896 : i32
      %parallel_loop3A_419 = arith.addi %parallel_loop3A_354, %parallel_loop3A_418 : i32
      %parallel_loop3A_420 = arith.index_cast %parallel_loop3A_419 : i32 to index
      %parallel_loop3A_421 = tpu.vector_load %arg8[%parallel_loop3A_420] {strides = array<i32>} : memref<16384xi32, #tpu.memory_space<vmem>>, vector<16xi32>,
      %parallel_loop3A_422 = tpu.vector_load_idx %arg6[%parallel_loop3A_421] : memref<16384xi32, #tpu.memory_space<vmem>>[vector<16xi32>], vector<16xi32>,
      %parallel_loop3A_423 = arith.constant 7 : i32
      %parallel_loop3A_424 = vector.broadcast %parallel_loop3A_423 : i32 to vector<16xi32>
      %parallel_loop3A_425 = arith.shli %parallel_loop3A_422, %parallel_loop3A_424 : vector<16xi32>
      %parallel_loop3A_426 = arith.ori %parallel_loop3A_417, %parallel_loop3A_425 : vector<16xi32>
      %parallel_loop3A_427 = arith.constant 16 : i32
      %parallel_loop3A_428 = arith.muli %parallel_loop3A_343, %parallel_loop3A_427 : i32
      %parallel_loop3A_429 = arith.addi %mul3A_2, %parallel_loop3A_428 : i32
      %parallel_loop3A_430 = arith.constant 3 : i32
      %parallel_loop3A_431 = arith.shrsi %parallel_loop3A_429, %parallel_loop3A_430 : i32
      %parallel_loop3A_432 = arith.constant 11 : i32
      %parallel_loop3A_433 = arith.shli %parallel_loop3A_431, %parallel_loop3A_432 : i32
      %parallel_loop3A_434 = vector.broadcast %parallel_loop3A_433 : i32 to vector<16xi32>
      %parallel_loop3A_435 = arith.addi %parallel_loop3A_434, %or3A : vector<16xi32>
      %parallel_loop3A_436 = arith.constant 7 : i32
      %parallel_loop3A_437 = vector.broadcast %parallel_loop3A_436 : i32 to vector<16xi32>
      %parallel_loop3A_438 = arith.shrsi %parallel_loop3A_426, %parallel_loop3A_437 : vector<16xi32>
      %parallel_loop3A_439 = arith.constant 10 : i32
      %parallel_loop3A_440 = vector.broadcast %parallel_loop3A_439 : i32 to vector<16xi32>
      %parallel_loop3A_441 = arith.shli %parallel_loop3A_438, %parallel_loop3A_440 : vector<16xi32>
      %parallel_loop3A_442 = arith.addi %parallel_loop3A_435, %parallel_loop3A_441 : vector<16xi32>
      %parallel_loop3A_443 = arith.constant 127 : i32
      %parallel_loop3A_444 = vector.broadcast %parallel_loop3A_443 : i32 to vector<16xi32>
      %parallel_loop3A_445 = arith.andi %parallel_loop3A_426, %parallel_loop3A_444 : vector<16xi32>
      %parallel_loop3A_446 = arith.addi %parallel_loop3A_442, %parallel_loop3A_445 : vector<16xi32>
      %parallel_loop3A_447 = arith.constant 3 : i32
      %parallel_loop3A_448 = arith.shrsi %parallel_loop3A_343, %parallel_loop3A_447 : i32
      %parallel_loop3A_449 = arith.constant 7 : i32
      %parallel_loop3A_450 = arith.andi %parallel_loop3A_343, %parallel_loop3A_449 : i32
      %parallel_loop3A_451 = arith.constant 16 : i32
      %parallel_loop3A_452 = arith.muli %parallel_loop3A_450, %parallel_loop3A_451 : i32
      %parallel_loop3A_453 = arith.index_cast %parallel_loop3A_448 : i32 to index
      %parallel_loop3A_454 = arith.index_cast %parallel_loop3A_452 : i32 to index
      %parallel_loop3A_455 = tpu.vector_load %arg9[%parallel_loop3A_453, %parallel_loop3A_454] {strides = array<i32>} : memref<16x128xi32, #tpu.memory_space<vmem>>, vector<16xi32>,
      tpu.vector_store %arg9[%parallel_loop3A_453, %parallel_loop3A_454], %parallel_loop3A_446 {strides = array<i32>} : memref<16x128xi32, #tpu.memory_space<vmem>>, vector<16xi32>,
    } {sc.loop_unroll_factor = 2 : i64, sc.parallel_access}
    %dma_start3A_101 = arith.constant 4 : i32
    %dma_start3A_102 = arith.constant 512 : i32
    %dma_start3A_103 = tpu.memref_slice %arg10[%dma_start3A_102] : memref<2048xf32, #tpu.memory_space<vmem>> -> memref<128xf32, #tpu.memory_space<vmem>>
    %dma_start3A_104 = arith.constant 0 : i32
    %dma_start3A_105 = tpu.memref_slice %arg9[%dma_start3A_101, %dma_start3A_104] : memref<16x128xi32, #tpu.memory_space<vmem>> -> memref<1x128xi32, #tpu.memory_space<vmem>>
    %dma_start3A_106 = tpu.memref_squeeze %dma_start3A_105 : memref<1x128xi32, #tpu.memory_space<vmem>> -> memref<128xi32, #tpu.memory_space<vmem>>
    %dma_start3A_107 = arith.constant 0 : i32
    %dma_start3A_108 = tpu.memref_slice %arg4[%dma_start3A_107] : memref<16777216xf32, #tpu.memory_space<hbm>> -> memref<16777216xf32, #tpu.memory_space<hbm>>
    tpu.enqueue_indirect_dma source(%dma_start3A_108 : memref<16777216xf32, #tpu.memory_space<hbm>>) target(%dma_start3A_103 : memref<128xf32, #tpu.memory_space<vmem>>) offsets(%dma_start3A_106 : memref<128xi32, #tpu.memory_space<vmem>>) semaphore(%arg13 : memref<!tpu.dma_semaphore, #tpu.memory_space<semaphore_mem>>)
    %dma_start3A_109 = arith.constant 5 : i32
    %dma_start3A_110 = arith.constant 640 : i32
    %dma_start3A_111 = tpu.memref_slice %arg10[%dma_start3A_110] : memref<2048xf32, #tpu.memory_space<vmem>> -> memref<128xf32, #tpu.memory_space<vmem>>
    %dma_start3A_112 = arith.constant 0 : i32
    %dma_start3A_113 = tpu.memref_slice %arg9[%dma_start3A_109, %dma_start3A_112] : memref<16x128xi32, #tpu.memory_space<vmem>> -> memref<1x128xi32, #tpu.memory_space<vmem>>
    %dma_start3A_114 = tpu.memref_squeeze %dma_start3A_113 : memref<1x128xi32, #tpu.memory_space<vmem>> -> memref<128xi32, #tpu.memory_space<vmem>>
    %dma_start3A_115 = arith.constant 0 : i32
    %dma_start3A_116 = tpu.memref_slice %arg4[%dma_start3A_115] : memref<16777216xf32, #tpu.memory_space<hbm>> -> memref<16777216xf32, #tpu.memory_space<hbm>>
    tpu.enqueue_indirect_dma source(%dma_start3A_116 : memref<16777216xf32, #tpu.memory_space<hbm>>) target(%dma_start3A_111 : memref<128xf32, #tpu.memory_space<vmem>>) offsets(%dma_start3A_114 : memref<128xi32, #tpu.memory_space<vmem>>) semaphore(%arg13 : memref<!tpu.dma_semaphore, #tpu.memory_space<semaphore_mem>>)
    %dma_start3A_117 = arith.constant 6 : i32
    %dma_start3A_118 = arith.constant 768 : i32
    %dma_start3A_119 = tpu.memref_slice %arg10[%dma_start3A_118] : memref<2048xf32, #tpu.memory_space<vmem>> -> memref<128xf32, #tpu.memory_space<vmem>>
    %dma_start3A_120 = arith.constant 0 : i32
    %dma_start3A_121 = tpu.memref_slice %arg9[%dma_start3A_117, %dma_start3A_120] : memref<16x128xi32, #tpu.memory_space<vmem>> -> memref<1x128xi32, #tpu.memory_space<vmem>>
    %dma_start3A_122 = tpu.memref_squeeze %dma_start3A_121 : memref<1x128xi32, #tpu.memory_space<vmem>> -> memref<128xi32, #tpu.memory_space<vmem>>
    %dma_start3A_123 = arith.constant 0 : i32
    %dma_start3A_124 = tpu.memref_slice %arg4[%dma_start3A_123] : memref<16777216xf32, #tpu.memory_space<hbm>> -> memref<16777216xf32, #tpu.memory_space<hbm>>
    tpu.enqueue_indirect_dma source(%dma_start3A_124 : memref<16777216xf32, #tpu.memory_space<hbm>>) target(%dma_start3A_119 : memref<128xf32, #tpu.memory_space<vmem>>) offsets(%dma_start3A_122 : memref<128xi32, #tpu.memory_space<vmem>>) semaphore(%arg13 : memref<!tpu.dma_semaphore, #tpu.memory_space<semaphore_mem>>)
    %dma_start3A_125 = arith.constant 7 : i32
    %dma_start3A_126 = arith.constant 896 : i32
    %dma_start3A_127 = tpu.memref_slice %arg10[%dma_start3A_126] : memref<2048xf32, #tpu.memory_space<vmem>> -> memref<128xf32, #tpu.memory_space<vmem>>
    %dma_start3A_128 = arith.constant 0 : i32
    %dma_start3A_129 = tpu.memref_slice %arg9[%dma_start3A_125, %dma_start3A_128] : memref<16x128xi32, #tpu.memory_space<vmem>> -> memref<1x128xi32, #tpu.memory_space<vmem>>
    %dma_start3A_130 = tpu.memref_squeeze %dma_start3A_129 : memref<1x128xi32, #tpu.memory_space<vmem>> -> memref<128xi32, #tpu.memory_space<vmem>>
    %dma_start3A_131 = arith.constant 0 : i32
    %dma_start3A_132 = tpu.memref_slice %arg4[%dma_start3A_131] : memref<16777216xf32, #tpu.memory_space<hbm>> -> memref<16777216xf32, #tpu.memory_space<hbm>>
    tpu.enqueue_indirect_dma source(%dma_start3A_132 : memref<16777216xf32, #tpu.memory_space<hbm>>) target(%dma_start3A_127 : memref<128xf32, #tpu.memory_space<vmem>>) offsets(%dma_start3A_130 : memref<128xi32, #tpu.memory_space<vmem>>) semaphore(%arg13 : memref<!tpu.dma_semaphore, #tpu.memory_space<semaphore_mem>>)
    %dma_wait3A_133 = arith.constant 8192 : i32
    %dma_wait3A_134 = tpu.memref_slice %arg8[%dma_wait3A_133] : memref<16384xi32, #tpu.memory_space<vmem>> -> memref<4096xi32, #tpu.memory_space<vmem>>
    %dma_wait3A_135 = tpu.memref_slice %arg3[%add3A_25] : memref<524288xi32, #tpu.memory_space<hbm>> -> memref<4096xi32, #tpu.memory_space<hbm>>
    %dma_wait3A_136 = arith.constant 8192 : i32
    %dma_wait3A_137 = tpu.memref_slice %arg8[%dma_wait3A_136] : memref<16384xi32, #tpu.memory_space<vmem>> -> memref<4096xi32, #tpu.memory_space<vmem>>
    %dma_wait3A_138 = tpu.memref_slice %arg3[%add3A_25] : memref<524288xi32, #tpu.memory_space<hbm>> -> memref<4096xi32, #tpu.memory_space<hbm>>
    tpu.wait_dma2 semaphore(%arg12 : memref<!tpu.dma_semaphore, #tpu.memory_space<semaphore_mem>>) src(%dma_wait3A_138 : memref<4096xi32, #tpu.memory_space<hbm>>) dst(%dma_wait3A_137 : memref<4096xi32, #tpu.memory_space<vmem>>)
    %parallel_loop3A_139 = arith.constant 64 : i32
    %parallel_loop3A_140 = arith.constant 96 : i32
    %parallel_loop3A_141 = arith.constant 1 : i32
    scf.for %parallel_loop3A_343 = %parallel_loop3A_139 to %parallel_loop3A_140 step %parallel_loop3A_141  : i32 {
      %parallel_loop3A_344 = arith.constant 0 : i32
      %parallel_loop3A_345 = vector.broadcast %parallel_loop3A_344 : i32 to vector<16xi32>
      %parallel_loop3A_346 = arith.constant 3 : i32
      %parallel_loop3A_347 = arith.shrsi %parallel_loop3A_343, %parallel_loop3A_346 : i32
      %parallel_loop3A_348 = arith.constant 1024 : i32
      %parallel_loop3A_349 = arith.muli %parallel_loop3A_347, %parallel_loop3A_348 : i32
      %parallel_loop3A_350 = arith.constant 7 : i32
      %parallel_loop3A_351 = arith.andi %parallel_loop3A_343, %parallel_loop3A_350 : i32
      %parallel_loop3A_352 = arith.constant 16 : i32
      %parallel_loop3A_353 = arith.muli %parallel_loop3A_351, %parallel_loop3A_352 : i32
      %parallel_loop3A_354 = arith.addi %parallel_loop3A_349, %parallel_loop3A_353 : i32
      %parallel_loop3A_355 = arith.constant 0 : i32
      %parallel_loop3A_356 = arith.addi %parallel_loop3A_354, %parallel_loop3A_355 : i32
      %parallel_loop3A_357 = arith.index_cast %parallel_loop3A_356 : i32 to index
      %parallel_loop3A_358 = tpu.vector_load %arg8[%parallel_loop3A_357] {strides = array<i32>} : memref<16384xi32, #tpu.memory_space<vmem>>, vector<16xi32>,
      %parallel_loop3A_359 = tpu.vector_load_idx %arg6[%parallel_loop3A_358] : memref<16384xi32, #tpu.memory_space<vmem>>[vector<16xi32>], vector<16xi32>,
      %parallel_loop3A_360 = arith.constant 0 : i32
      %parallel_loop3A_361 = vector.broadcast %parallel_loop3A_360 : i32 to vector<16xi32>
      %parallel_loop3A_362 = arith.shli %parallel_loop3A_359, %parallel_loop3A_361 : vector<16xi32>
      %parallel_loop3A_363 = arith.ori %parallel_loop3A_345, %parallel_loop3A_362 : vector<16xi32>
      %parallel_loop3A_364 = arith.constant 128 : i32
      %parallel_loop3A_365 = arith.addi %parallel_loop3A_354, %parallel_loop3A_364 : i32
      %parallel_loop3A_366 = arith.index_cast %parallel_loop3A_365 : i32 to index
      %parallel_loop3A_367 = tpu.vector_load %arg8[%parallel_loop3A_366] {strides = array<i32>} : memref<16384xi32, #tpu.memory_space<vmem>>, vector<16xi32>,
      %parallel_loop3A_368 = tpu.vector_load_idx %arg6[%parallel_loop3A_367] : memref<16384xi32, #tpu.memory_space<vmem>>[vector<16xi32>], vector<16xi32>,
      %parallel_loop3A_369 = arith.constant 1 : i32
      %parallel_loop3A_370 = vector.broadcast %parallel_loop3A_369 : i32 to vector<16xi32>
      %parallel_loop3A_371 = arith.shli %parallel_loop3A_368, %parallel_loop3A_370 : vector<16xi32>
      %parallel_loop3A_372 = arith.ori %parallel_loop3A_363, %parallel_loop3A_371 : vector<16xi32>
      %parallel_loop3A_373 = arith.constant 256 : i32
      %parallel_loop3A_374 = arith.addi %parallel_loop3A_354, %parallel_loop3A_373 : i32
      %parallel_loop3A_375 = arith.index_cast %parallel_loop3A_374 : i32 to index
      %parallel_loop3A_376 = tpu.vector_load %arg8[%parallel_loop3A_375] {strides = array<i32>} : memref<16384xi32, #tpu.memory_space<vmem>>, vector<16xi32>,
      %parallel_loop3A_377 = tpu.vector_load_idx %arg6[%parallel_loop3A_376] : memref<16384xi32, #tpu.memory_space<vmem>>[vector<16xi32>], vector<16xi32>,
      %parallel_loop3A_378 = arith.constant 2 : i32
      %parallel_loop3A_379 = vector.broadcast %parallel_loop3A_378 : i32 to vector<16xi32>
      %parallel_loop3A_380 = arith.shli %parallel_loop3A_377, %parallel_loop3A_379 : vector<16xi32>
      %parallel_loop3A_381 = arith.ori %parallel_loop3A_372, %parallel_loop3A_380 : vector<16xi32>
      %parallel_loop3A_382 = arith.constant 384 : i32
      %parallel_loop3A_383 = arith.addi %parallel_loop3A_354, %parallel_loop3A_382 : i32
      %parallel_loop3A_384 = arith.index_cast %parallel_loop3A_383 : i32 to index
      %parallel_loop3A_385 = tpu.vector_load %arg8[%parallel_loop3A_384] {strides = array<i32>} : memref<16384xi32, #tpu.memory_space<vmem>>, vector<16xi32>,
      %parallel_loop3A_386 = tpu.vector_load_idx %arg6[%parallel_loop3A_385] : memref<16384xi32, #tpu.memory_space<vmem>>[vector<16xi32>], vector<16xi32>,
      %parallel_loop3A_387 = arith.constant 3 : i32
      %parallel_loop3A_388 = vector.broadcast %parallel_loop3A_387 : i32 to vector<16xi32>
      %parallel_loop3A_389 = arith.shli %parallel_loop3A_386, %parallel_loop3A_388 : vector<16xi32>
      %parallel_loop3A_390 = arith.ori %parallel_loop3A_381, %parallel_loop3A_389 : vector<16xi32>
      %parallel_loop3A_391 = arith.constant 512 : i32
      %parallel_loop3A_392 = arith.addi %parallel_loop3A_354, %parallel_loop3A_391 : i32
      %parallel_loop3A_393 = arith.index_cast %parallel_loop3A_392 : i32 to index
      %parallel_loop3A_394 = tpu.vector_load %arg8[%parallel_loop3A_393] {strides = array<i32>} : memref<16384xi32, #tpu.memory_space<vmem>>, vector<16xi32>,
      %parallel_loop3A_395 = tpu.vector_load_idx %arg6[%parallel_loop3A_394] : memref<16384xi32, #tpu.memory_space<vmem>>[vector<16xi32>], vector<16xi32>,
      %parallel_loop3A_396 = arith.constant 4 : i32
      %parallel_loop3A_397 = vector.broadcast %parallel_loop3A_396 : i32 to vector<16xi32>
      %parallel_loop3A_398 = arith.shli %parallel_loop3A_395, %parallel_loop3A_397 : vector<16xi32>
      %parallel_loop3A_399 = arith.ori %parallel_loop3A_390, %parallel_loop3A_398 : vector<16xi32>
      %parallel_loop3A_400 = arith.constant 640 : i32
      %parallel_loop3A_401 = arith.addi %parallel_loop3A_354, %parallel_loop3A_400 : i32
      %parallel_loop3A_402 = arith.index_cast %parallel_loop3A_401 : i32 to index
      %parallel_loop3A_403 = tpu.vector_load %arg8[%parallel_loop3A_402] {strides = array<i32>} : memref<16384xi32, #tpu.memory_space<vmem>>, vector<16xi32>,
      %parallel_loop3A_404 = tpu.vector_load_idx %arg6[%parallel_loop3A_403] : memref<16384xi32, #tpu.memory_space<vmem>>[vector<16xi32>], vector<16xi32>,
      %parallel_loop3A_405 = arith.constant 5 : i32
      %parallel_loop3A_406 = vector.broadcast %parallel_loop3A_405 : i32 to vector<16xi32>
      %parallel_loop3A_407 = arith.shli %parallel_loop3A_404, %parallel_loop3A_406 : vector<16xi32>
      %parallel_loop3A_408 = arith.ori %parallel_loop3A_399, %parallel_loop3A_407 : vector<16xi32>
      %parallel_loop3A_409 = arith.constant 768 : i32
      %parallel_loop3A_410 = arith.addi %parallel_loop3A_354, %parallel_loop3A_409 : i32
      %parallel_loop3A_411 = arith.index_cast %parallel_loop3A_410 : i32 to index
      %parallel_loop3A_412 = tpu.vector_load %arg8[%parallel_loop3A_411] {strides = array<i32>} : memref<16384xi32, #tpu.memory_space<vmem>>, vector<16xi32>,
      %parallel_loop3A_413 = tpu.vector_load_idx %arg6[%parallel_loop3A_412] : memref<16384xi32, #tpu.memory_space<vmem>>[vector<16xi32>], vector<16xi32>,
      %parallel_loop3A_414 = arith.constant 6 : i32
      %parallel_loop3A_415 = vector.broadcast %parallel_loop3A_414 : i32 to vector<16xi32>
      %parallel_loop3A_416 = arith.shli %parallel_loop3A_413, %parallel_loop3A_415 : vector<16xi32>
      %parallel_loop3A_417 = arith.ori %parallel_loop3A_408, %parallel_loop3A_416 : vector<16xi32>
      %parallel_loop3A_418 = arith.constant 896 : i32
      %parallel_loop3A_419 = arith.addi %parallel_loop3A_354, %parallel_loop3A_418 : i32
      %parallel_loop3A_420 = arith.index_cast %parallel_loop3A_419 : i32 to index
      %parallel_loop3A_421 = tpu.vector_load %arg8[%parallel_loop3A_420] {strides = array<i32>} : memref<16384xi32, #tpu.memory_space<vmem>>, vector<16xi32>,
      %parallel_loop3A_422 = tpu.vector_load_idx %arg6[%parallel_loop3A_421] : memref<16384xi32, #tpu.memory_space<vmem>>[vector<16xi32>], vector<16xi32>,
      %parallel_loop3A_423 = arith.constant 7 : i32
      %parallel_loop3A_424 = vector.broadcast %parallel_loop3A_423 : i32 to vector<16xi32>
      %parallel_loop3A_425 = arith.shli %parallel_loop3A_422, %parallel_loop3A_424 : vector<16xi32>
      %parallel_loop3A_426 = arith.ori %parallel_loop3A_417, %parallel_loop3A_425 : vector<16xi32>
      %parallel_loop3A_427 = arith.constant 16 : i32
      %parallel_loop3A_428 = arith.muli %parallel_loop3A_343, %parallel_loop3A_427 : i32
      %parallel_loop3A_429 = arith.addi %mul3A_2, %parallel_loop3A_428 : i32
      %parallel_loop3A_430 = arith.constant 3 : i32
      %parallel_loop3A_431 = arith.shrsi %parallel_loop3A_429, %parallel_loop3A_430 : i32
      %parallel_loop3A_432 = arith.constant 11 : i32
      %parallel_loop3A_433 = arith.shli %parallel_loop3A_431, %parallel_loop3A_432 : i32
      %parallel_loop3A_434 = vector.broadcast %parallel_loop3A_433 : i32 to vector<16xi32>
      %parallel_loop3A_435 = arith.addi %parallel_loop3A_434, %or3A : vector<16xi32>
      %parallel_loop3A_436 = arith.constant 7 : i32
      %parallel_loop3A_437 = vector.broadcast %parallel_loop3A_436 : i32 to vector<16xi32>
      %parallel_loop3A_438 = arith.shrsi %parallel_loop3A_426, %parallel_loop3A_437 : vector<16xi32>
      %parallel_loop3A_439 = arith.constant 10 : i32
      %parallel_loop3A_440 = vector.broadcast %parallel_loop3A_439 : i32 to vector<16xi32>
      %parallel_loop3A_441 = arith.shli %parallel_loop3A_438, %parallel_loop3A_440 : vector<16xi32>
      %parallel_loop3A_442 = arith.addi %parallel_loop3A_435, %parallel_loop3A_441 : vector<16xi32>
      %parallel_loop3A_443 = arith.constant 127 : i32
      %parallel_loop3A_444 = vector.broadcast %parallel_loop3A_443 : i32 to vector<16xi32>
      %parallel_loop3A_445 = arith.andi %parallel_loop3A_426, %parallel_loop3A_444 : vector<16xi32>
      %parallel_loop3A_446 = arith.addi %parallel_loop3A_442, %parallel_loop3A_445 : vector<16xi32>
      %parallel_loop3A_447 = arith.constant 3 : i32
      %parallel_loop3A_448 = arith.shrsi %parallel_loop3A_343, %parallel_loop3A_447 : i32
      %parallel_loop3A_449 = arith.constant 7 : i32
      %parallel_loop3A_450 = arith.andi %parallel_loop3A_343, %parallel_loop3A_449 : i32
      %parallel_loop3A_451 = arith.constant 16 : i32
      %parallel_loop3A_452 = arith.muli %parallel_loop3A_450, %parallel_loop3A_451 : i32
      %parallel_loop3A_453 = arith.index_cast %parallel_loop3A_448 : i32 to index
      %parallel_loop3A_454 = arith.index_cast %parallel_loop3A_452 : i32 to index
      %parallel_loop3A_455 = tpu.vector_load %arg9[%parallel_loop3A_453, %parallel_loop3A_454] {strides = array<i32>} : memref<16x128xi32, #tpu.memory_space<vmem>>, vector<16xi32>,
      tpu.vector_store %arg9[%parallel_loop3A_453, %parallel_loop3A_454], %parallel_loop3A_446 {strides = array<i32>} : memref<16x128xi32, #tpu.memory_space<vmem>>, vector<16xi32>,
    } {sc.loop_unroll_factor = 2 : i64, sc.parallel_access}
    %dma_start3A_142 = arith.constant 8 : i32
    %dma_start3A_143 = arith.constant 1024 : i32
    %dma_start3A_144 = tpu.memref_slice %arg10[%dma_start3A_143] : memref<2048xf32, #tpu.memory_space<vmem>> -> memref<128xf32, #tpu.memory_space<vmem>>
    %dma_start3A_145 = arith.constant 0 : i32
    %dma_start3A_146 = tpu.memref_slice %arg9[%dma_start3A_142, %dma_start3A_145] : memref<16x128xi32, #tpu.memory_space<vmem>> -> memref<1x128xi32, #tpu.memory_space<vmem>>
    %dma_start3A_147 = tpu.memref_squeeze %dma_start3A_146 : memref<1x128xi32, #tpu.memory_space<vmem>> -> memref<128xi32, #tpu.memory_space<vmem>>
    %dma_start3A_148 = arith.constant 0 : i32
    %dma_start3A_149 = tpu.memref_slice %arg4[%dma_start3A_148] : memref<16777216xf32, #tpu.memory_space<hbm>> -> memref<16777216xf32, #tpu.memory_space<hbm>>
    tpu.enqueue_indirect_dma source(%dma_start3A_149 : memref<16777216xf32, #tpu.memory_space<hbm>>) target(%dma_start3A_144 : memref<128xf32, #tpu.memory_space<vmem>>) offsets(%dma_start3A_147 : memref<128xi32, #tpu.memory_space<vmem>>) semaphore(%arg13 : memref<!tpu.dma_semaphore, #tpu.memory_space<semaphore_mem>>)
    %dma_start3A_150 = arith.constant 9 : i32
    %dma_start3A_151 = arith.constant 1152 : i32
    %dma_start3A_152 = tpu.memref_slice %arg10[%dma_start3A_151] : memref<2048xf32, #tpu.memory_space<vmem>> -> memref<128xf32, #tpu.memory_space<vmem>>
    %dma_start3A_153 = arith.constant 0 : i32
    %dma_start3A_154 = tpu.memref_slice %arg9[%dma_start3A_150, %dma_start3A_153] : memref<16x128xi32, #tpu.memory_space<vmem>> -> memref<1x128xi32, #tpu.memory_space<vmem>>
    %dma_start3A_155 = tpu.memref_squeeze %dma_start3A_154 : memref<1x128xi32, #tpu.memory_space<vmem>> -> memref<128xi32, #tpu.memory_space<vmem>>
    %dma_start3A_156 = arith.constant 0 : i32
    %dma_start3A_157 = tpu.memref_slice %arg4[%dma_start3A_156] : memref<16777216xf32, #tpu.memory_space<hbm>> -> memref<16777216xf32, #tpu.memory_space<hbm>>
    tpu.enqueue_indirect_dma source(%dma_start3A_157 : memref<16777216xf32, #tpu.memory_space<hbm>>) target(%dma_start3A_152 : memref<128xf32, #tpu.memory_space<vmem>>) offsets(%dma_start3A_155 : memref<128xi32, #tpu.memory_space<vmem>>) semaphore(%arg13 : memref<!tpu.dma_semaphore, #tpu.memory_space<semaphore_mem>>)
    %dma_start3A_158 = arith.constant 10 : i32
    %dma_start3A_159 = arith.constant 1280 : i32
    %dma_start3A_160 = tpu.memref_slice %arg10[%dma_start3A_159] : memref<2048xf32, #tpu.memory_space<vmem>> -> memref<128xf32, #tpu.memory_space<vmem>>
    %dma_start3A_161 = arith.constant 0 : i32
    %dma_start3A_162 = tpu.memref_slice %arg9[%dma_start3A_158, %dma_start3A_161] : memref<16x128xi32, #tpu.memory_space<vmem>> -> memref<1x128xi32, #tpu.memory_space<vmem>>
    %dma_start3A_163 = tpu.memref_squeeze %dma_start3A_162 : memref<1x128xi32, #tpu.memory_space<vmem>> -> memref<128xi32, #tpu.memory_space<vmem>>
    %dma_start3A_164 = arith.constant 0 : i32
    %dma_start3A_165 = tpu.memref_slice %arg4[%dma_start3A_164] : memref<16777216xf32, #tpu.memory_space<hbm>> -> memref<16777216xf32, #tpu.memory_space<hbm>>
    tpu.enqueue_indirect_dma source(%dma_start3A_165 : memref<16777216xf32, #tpu.memory_space<hbm>>) target(%dma_start3A_160 : memref<128xf32, #tpu.memory_space<vmem>>) offsets(%dma_start3A_163 : memref<128xi32, #tpu.memory_space<vmem>>) semaphore(%arg13 : memref<!tpu.dma_semaphore, #tpu.memory_space<semaphore_mem>>)
    %dma_start3A_166 = arith.constant 11 : i32
    %dma_start3A_167 = arith.constant 1408 : i32
    %dma_start3A_168 = tpu.memref_slice %arg10[%dma_start3A_167] : memref<2048xf32, #tpu.memory_space<vmem>> -> memref<128xf32, #tpu.memory_space<vmem>>
    %dma_start3A_169 = arith.constant 0 : i32
    %dma_start3A_170 = tpu.memref_slice %arg9[%dma_start3A_166, %dma_start3A_169] : memref<16x128xi32, #tpu.memory_space<vmem>> -> memref<1x128xi32, #tpu.memory_space<vmem>>
    %dma_start3A_171 = tpu.memref_squeeze %dma_start3A_170 : memref<1x128xi32, #tpu.memory_space<vmem>> -> memref<128xi32, #tpu.memory_space<vmem>>
    %dma_start3A_172 = arith.constant 0 : i32
    %dma_start3A_173 = tpu.memref_slice %arg4[%dma_start3A_172] : memref<16777216xf32, #tpu.memory_space<hbm>> -> memref<16777216xf32, #tpu.memory_space<hbm>>
    tpu.enqueue_indirect_dma source(%dma_start3A_173 : memref<16777216xf32, #tpu.memory_space<hbm>>) target(%dma_start3A_168 : memref<128xf32, #tpu.memory_space<vmem>>) offsets(%dma_start3A_171 : memref<128xi32, #tpu.memory_space<vmem>>) semaphore(%arg13 : memref<!tpu.dma_semaphore, #tpu.memory_space<semaphore_mem>>)
    %dma_wait3A_174 = arith.constant 12288 : i32
    %dma_wait3A_175 = tpu.memref_slice %arg8[%dma_wait3A_174] : memref<16384xi32, #tpu.memory_space<vmem>> -> memref<4096xi32, #tpu.memory_space<vmem>>
    %dma_wait3A_176 = tpu.memref_slice %arg3[%add3A_35] : memref<524288xi32, #tpu.memory_space<hbm>> -> memref<4096xi32, #tpu.memory_space<hbm>>
    %dma_wait3A_177 = arith.constant 12288 : i32
    %dma_wait3A_178 = tpu.memref_slice %arg8[%dma_wait3A_177] : memref<16384xi32, #tpu.memory_space<vmem>> -> memref<4096xi32, #tpu.memory_space<vmem>>
    %dma_wait3A_179 = tpu.memref_slice %arg3[%add3A_35] : memref<524288xi32, #tpu.memory_space<hbm>> -> memref<4096xi32, #tpu.memory_space<hbm>>
    tpu.wait_dma2 semaphore(%arg12 : memref<!tpu.dma_semaphore, #tpu.memory_space<semaphore_mem>>) src(%dma_wait3A_179 : memref<4096xi32, #tpu.memory_space<hbm>>) dst(%dma_wait3A_178 : memref<4096xi32, #tpu.memory_space<vmem>>)
    %parallel_loop3A_180 = arith.constant 96 : i32
    %parallel_loop3A_181 = arith.constant 128 : i32
    %parallel_loop3A_182 = arith.constant 1 : i32
    scf.for %parallel_loop3A_343 = %parallel_loop3A_180 to %parallel_loop3A_181 step %parallel_loop3A_182  : i32 {
      %parallel_loop3A_344 = arith.constant 0 : i32
      %parallel_loop3A_345 = vector.broadcast %parallel_loop3A_344 : i32 to vector<16xi32>
      %parallel_loop3A_346 = arith.constant 3 : i32
      %parallel_loop3A_347 = arith.shrsi %parallel_loop3A_343, %parallel_loop3A_346 : i32
      %parallel_loop3A_348 = arith.constant 1024 : i32
      %parallel_loop3A_349 = arith.muli %parallel_loop3A_347, %parallel_loop3A_348 : i32
      %parallel_loop3A_350 = arith.constant 7 : i32
      %parallel_loop3A_351 = arith.andi %parallel_loop3A_343, %parallel_loop3A_350 : i32
      %parallel_loop3A_352 = arith.constant 16 : i32
      %parallel_loop3A_353 = arith.muli %parallel_loop3A_351, %parallel_loop3A_352 : i32
      %parallel_loop3A_354 = arith.addi %parallel_loop3A_349, %parallel_loop3A_353 : i32
      %parallel_loop3A_355 = arith.constant 0 : i32
      %parallel_loop3A_356 = arith.addi %parallel_loop3A_354, %parallel_loop3A_355 : i32
      %parallel_loop3A_357 = arith.index_cast %parallel_loop3A_356 : i32 to index
      %parallel_loop3A_358 = tpu.vector_load %arg8[%parallel_loop3A_357] {strides = array<i32>} : memref<16384xi32, #tpu.memory_space<vmem>>, vector<16xi32>,
      %parallel_loop3A_359 = tpu.vector_load_idx %arg6[%parallel_loop3A_358] : memref<16384xi32, #tpu.memory_space<vmem>>[vector<16xi32>], vector<16xi32>,
      %parallel_loop3A_360 = arith.constant 0 : i32
      %parallel_loop3A_361 = vector.broadcast %parallel_loop3A_360 : i32 to vector<16xi32>
      %parallel_loop3A_362 = arith.shli %parallel_loop3A_359, %parallel_loop3A_361 : vector<16xi32>
      %parallel_loop3A_363 = arith.ori %parallel_loop3A_345, %parallel_loop3A_362 : vector<16xi32>
      %parallel_loop3A_364 = arith.constant 128 : i32
      %parallel_loop3A_365 = arith.addi %parallel_loop3A_354, %parallel_loop3A_364 : i32
      %parallel_loop3A_366 = arith.index_cast %parallel_loop3A_365 : i32 to index
      %parallel_loop3A_367 = tpu.vector_load %arg8[%parallel_loop3A_366] {strides = array<i32>} : memref<16384xi32, #tpu.memory_space<vmem>>, vector<16xi32>,
      %parallel_loop3A_368 = tpu.vector_load_idx %arg6[%parallel_loop3A_367] : memref<16384xi32, #tpu.memory_space<vmem>>[vector<16xi32>], vector<16xi32>,
      %parallel_loop3A_369 = arith.constant 1 : i32
      %parallel_loop3A_370 = vector.broadcast %parallel_loop3A_369 : i32 to vector<16xi32>
      %parallel_loop3A_371 = arith.shli %parallel_loop3A_368, %parallel_loop3A_370 : vector<16xi32>
      %parallel_loop3A_372 = arith.ori %parallel_loop3A_363, %parallel_loop3A_371 : vector<16xi32>
      %parallel_loop3A_373 = arith.constant 256 : i32
      %parallel_loop3A_374 = arith.addi %parallel_loop3A_354, %parallel_loop3A_373 : i32
      %parallel_loop3A_375 = arith.index_cast %parallel_loop3A_374 : i32 to index
      %parallel_loop3A_376 = tpu.vector_load %arg8[%parallel_loop3A_375] {strides = array<i32>} : memref<16384xi32, #tpu.memory_space<vmem>>, vector<16xi32>,
      %parallel_loop3A_377 = tpu.vector_load_idx %arg6[%parallel_loop3A_376] : memref<16384xi32, #tpu.memory_space<vmem>>[vector<16xi32>], vector<16xi32>,
      %parallel_loop3A_378 = arith.constant 2 : i32
      %parallel_loop3A_379 = vector.broadcast %parallel_loop3A_378 : i32 to vector<16xi32>
      %parallel_loop3A_380 = arith.shli %parallel_loop3A_377, %parallel_loop3A_379 : vector<16xi32>
      %parallel_loop3A_381 = arith.ori %parallel_loop3A_372, %parallel_loop3A_380 : vector<16xi32>
      %parallel_loop3A_382 = arith.constant 384 : i32
      %parallel_loop3A_383 = arith.addi %parallel_loop3A_354, %parallel_loop3A_382 : i32
      %parallel_loop3A_384 = arith.index_cast %parallel_loop3A_383 : i32 to index
      %parallel_loop3A_385 = tpu.vector_load %arg8[%parallel_loop3A_384] {strides = array<i32>} : memref<16384xi32, #tpu.memory_space<vmem>>, vector<16xi32>,
      %parallel_loop3A_386 = tpu.vector_load_idx %arg6[%parallel_loop3A_385] : memref<16384xi32, #tpu.memory_space<vmem>>[vector<16xi32>], vector<16xi32>,
      %parallel_loop3A_387 = arith.constant 3 : i32
      %parallel_loop3A_388 = vector.broadcast %parallel_loop3A_387 : i32 to vector<16xi32>
      %parallel_loop3A_389 = arith.shli %parallel_loop3A_386, %parallel_loop3A_388 : vector<16xi32>
      %parallel_loop3A_390 = arith.ori %parallel_loop3A_381, %parallel_loop3A_389 : vector<16xi32>
      %parallel_loop3A_391 = arith.constant 512 : i32
      %parallel_loop3A_392 = arith.addi %parallel_loop3A_354, %parallel_loop3A_391 : i32
      %parallel_loop3A_393 = arith.index_cast %parallel_loop3A_392 : i32 to index
      %parallel_loop3A_394 = tpu.vector_load %arg8[%parallel_loop3A_393] {strides = array<i32>} : memref<16384xi32, #tpu.memory_space<vmem>>, vector<16xi32>,
      %parallel_loop3A_395 = tpu.vector_load_idx %arg6[%parallel_loop3A_394] : memref<16384xi32, #tpu.memory_space<vmem>>[vector<16xi32>], vector<16xi32>,
      %parallel_loop3A_396 = arith.constant 4 : i32
      %parallel_loop3A_397 = vector.broadcast %parallel_loop3A_396 : i32 to vector<16xi32>
      %parallel_loop3A_398 = arith.shli %parallel_loop3A_395, %parallel_loop3A_397 : vector<16xi32>
      %parallel_loop3A_399 = arith.ori %parallel_loop3A_390, %parallel_loop3A_398 : vector<16xi32>
      %parallel_loop3A_400 = arith.constant 640 : i32
      %parallel_loop3A_401 = arith.addi %parallel_loop3A_354, %parallel_loop3A_400 : i32
      %parallel_loop3A_402 = arith.index_cast %parallel_loop3A_401 : i32 to index
      %parallel_loop3A_403 = tpu.vector_load %arg8[%parallel_loop3A_402] {strides = array<i32>} : memref<16384xi32, #tpu.memory_space<vmem>>, vector<16xi32>,
      %parallel_loop3A_404 = tpu.vector_load_idx %arg6[%parallel_loop3A_403] : memref<16384xi32, #tpu.memory_space<vmem>>[vector<16xi32>], vector<16xi32>,
      %parallel_loop3A_405 = arith.constant 5 : i32
      %parallel_loop3A_406 = vector.broadcast %parallel_loop3A_405 : i32 to vector<16xi32>
      %parallel_loop3A_407 = arith.shli %parallel_loop3A_404, %parallel_loop3A_406 : vector<16xi32>
      %parallel_loop3A_408 = arith.ori %parallel_loop3A_399, %parallel_loop3A_407 : vector<16xi32>
      %parallel_loop3A_409 = arith.constant 768 : i32
      %parallel_loop3A_410 = arith.addi %parallel_loop3A_354, %parallel_loop3A_409 : i32
      %parallel_loop3A_411 = arith.index_cast %parallel_loop3A_410 : i32 to index
      %parallel_loop3A_412 = tpu.vector_load %arg8[%parallel_loop3A_411] {strides = array<i32>} : memref<16384xi32, #tpu.memory_space<vmem>>, vector<16xi32>,
      %parallel_loop3A_413 = tpu.vector_load_idx %arg6[%parallel_loop3A_412] : memref<16384xi32, #tpu.memory_space<vmem>>[vector<16xi32>], vector<16xi32>,
      %parallel_loop3A_414 = arith.constant 6 : i32
      %parallel_loop3A_415 = vector.broadcast %parallel_loop3A_414 : i32 to vector<16xi32>
      %parallel_loop3A_416 = arith.shli %parallel_loop3A_413, %parallel_loop3A_415 : vector<16xi32>
      %parallel_loop3A_417 = arith.ori %parallel_loop3A_408, %parallel_loop3A_416 : vector<16xi32>
      %parallel_loop3A_418 = arith.constant 896 : i32
      %parallel_loop3A_419 = arith.addi %parallel_loop3A_354, %parallel_loop3A_418 : i32
      %parallel_loop3A_420 = arith.index_cast %parallel_loop3A_419 : i32 to index
      %parallel_loop3A_421 = tpu.vector_load %arg8[%parallel_loop3A_420] {strides = array<i32>} : memref<16384xi32, #tpu.memory_space<vmem>>, vector<16xi32>,
      %parallel_loop3A_422 = tpu.vector_load_idx %arg6[%parallel_loop3A_421] : memref<16384xi32, #tpu.memory_space<vmem>>[vector<16xi32>], vector<16xi32>,
      %parallel_loop3A_423 = arith.constant 7 : i32
      %parallel_loop3A_424 = vector.broadcast %parallel_loop3A_423 : i32 to vector<16xi32>
      %parallel_loop3A_425 = arith.shli %parallel_loop3A_422, %parallel_loop3A_424 : vector<16xi32>
      %parallel_loop3A_426 = arith.ori %parallel_loop3A_417, %parallel_loop3A_425 : vector<16xi32>
      %parallel_loop3A_427 = arith.constant 16 : i32
      %parallel_loop3A_428 = arith.muli %parallel_loop3A_343, %parallel_loop3A_427 : i32
      %parallel_loop3A_429 = arith.addi %mul3A_2, %parallel_loop3A_428 : i32
      %parallel_loop3A_430 = arith.constant 3 : i32
      %parallel_loop3A_431 = arith.shrsi %parallel_loop3A_429, %parallel_loop3A_430 : i32
      %parallel_loop3A_432 = arith.constant 11 : i32
      %parallel_loop3A_433 = arith.shli %parallel_loop3A_431, %parallel_loop3A_432 : i32
      %parallel_loop3A_434 = vector.broadcast %parallel_loop3A_433 : i32 to vector<16xi32>
      %parallel_loop3A_435 = arith.addi %parallel_loop3A_434, %or3A : vector<16xi32>
      %parallel_loop3A_436 = arith.constant 7 : i32
      %parallel_loop3A_437 = vector.broadcast %parallel_loop3A_436 : i32 to vector<16xi32>
      %parallel_loop3A_438 = arith.shrsi %parallel_loop3A_426, %parallel_loop3A_437 : vector<16xi32>
      %parallel_loop3A_439 = arith.constant 10 : i32
      %parallel_loop3A_440 = vector.broadcast %parallel_loop3A_439 : i32 to vector<16xi32>
      %parallel_loop3A_441 = arith.shli %parallel_loop3A_438, %parallel_loop3A_440 : vector<16xi32>
      %parallel_loop3A_442 = arith.addi %parallel_loop3A_435, %parallel_loop3A_441 : vector<16xi32>
      %parallel_loop3A_443 = arith.constant 127 : i32
      %parallel_loop3A_444 = vector.broadcast %parallel_loop3A_443 : i32 to vector<16xi32>
      %parallel_loop3A_445 = arith.andi %parallel_loop3A_426, %parallel_loop3A_444 : vector<16xi32>
      %parallel_loop3A_446 = arith.addi %parallel_loop3A_442, %parallel_loop3A_445 : vector<16xi32>
      %parallel_loop3A_447 = arith.constant 3 : i32
      %parallel_loop3A_448 = arith.shrsi %parallel_loop3A_343, %parallel_loop3A_447 : i32
      %parallel_loop3A_449 = arith.constant 7 : i32
      %parallel_loop3A_450 = arith.andi %parallel_loop3A_343, %parallel_loop3A_449 : i32
      %parallel_loop3A_451 = arith.constant 16 : i32
      %parallel_loop3A_452 = arith.muli %parallel_loop3A_450, %parallel_loop3A_451 : i32
      %parallel_loop3A_453 = arith.index_cast %parallel_loop3A_448 : i32 to index
      %parallel_loop3A_454 = arith.index_cast %parallel_loop3A_452 : i32 to index
      %parallel_loop3A_455 = tpu.vector_load %arg9[%parallel_loop3A_453, %parallel_loop3A_454] {strides = array<i32>} : memref<16x128xi32, #tpu.memory_space<vmem>>, vector<16xi32>,
      tpu.vector_store %arg9[%parallel_loop3A_453, %parallel_loop3A_454], %parallel_loop3A_446 {strides = array<i32>} : memref<16x128xi32, #tpu.memory_space<vmem>>, vector<16xi32>,
    } {sc.loop_unroll_factor = 2 : i64, sc.parallel_access}
    %dma_start3A_183 = arith.constant 12 : i32
    %dma_start3A_184 = arith.constant 1536 : i32
    %dma_start3A_185 = tpu.memref_slice %arg10[%dma_start3A_184] : memref<2048xf32, #tpu.memory_space<vmem>> -> memref<128xf32, #tpu.memory_space<vmem>>
    %dma_start3A_186 = arith.constant 0 : i32
    %dma_start3A_187 = tpu.memref_slice %arg9[%dma_start3A_183, %dma_start3A_186] : memref<16x128xi32, #tpu.memory_space<vmem>> -> memref<1x128xi32, #tpu.memory_space<vmem>>
    %dma_start3A_188 = tpu.memref_squeeze %dma_start3A_187 : memref<1x128xi32, #tpu.memory_space<vmem>> -> memref<128xi32, #tpu.memory_space<vmem>>
    %dma_start3A_189 = arith.constant 0 : i32
    %dma_start3A_190 = tpu.memref_slice %arg4[%dma_start3A_189] : memref<16777216xf32, #tpu.memory_space<hbm>> -> memref<16777216xf32, #tpu.memory_space<hbm>>
    tpu.enqueue_indirect_dma source(%dma_start3A_190 : memref<16777216xf32, #tpu.memory_space<hbm>>) target(%dma_start3A_185 : memref<128xf32, #tpu.memory_space<vmem>>) offsets(%dma_start3A_188 : memref<128xi32, #tpu.memory_space<vmem>>) semaphore(%arg13 : memref<!tpu.dma_semaphore, #tpu.memory_space<semaphore_mem>>)
    %dma_start3A_191 = arith.constant 13 : i32
    %dma_start3A_192 = arith.constant 1664 : i32
    %dma_start3A_193 = tpu.memref_slice %arg10[%dma_start3A_192] : memref<2048xf32, #tpu.memory_space<vmem>> -> memref<128xf32, #tpu.memory_space<vmem>>
    %dma_start3A_194 = arith.constant 0 : i32
    %dma_start3A_195 = tpu.memref_slice %arg9[%dma_start3A_191, %dma_start3A_194] : memref<16x128xi32, #tpu.memory_space<vmem>> -> memref<1x128xi32, #tpu.memory_space<vmem>>
    %dma_start3A_196 = tpu.memref_squeeze %dma_start3A_195 : memref<1x128xi32, #tpu.memory_space<vmem>> -> memref<128xi32, #tpu.memory_space<vmem>>
    %dma_start3A_197 = arith.constant 0 : i32
    %dma_start3A_198 = tpu.memref_slice %arg4[%dma_start3A_197] : memref<16777216xf32, #tpu.memory_space<hbm>> -> memref<16777216xf32, #tpu.memory_space<hbm>>
    tpu.enqueue_indirect_dma source(%dma_start3A_198 : memref<16777216xf32, #tpu.memory_space<hbm>>) target(%dma_start3A_193 : memref<128xf32, #tpu.memory_space<vmem>>) offsets(%dma_start3A_196 : memref<128xi32, #tpu.memory_space<vmem>>) semaphore(%arg13 : memref<!tpu.dma_semaphore, #tpu.memory_space<semaphore_mem>>)
    %dma_start3A_199 = arith.constant 14 : i32
    %dma_start3A_200 = arith.constant 1792 : i32
    %dma_start3A_201 = tpu.memref_slice %arg10[%dma_start3A_200] : memref<2048xf32, #tpu.memory_space<vmem>> -> memref<128xf32, #tpu.memory_space<vmem>>
    %dma_start3A_202 = arith.constant 0 : i32
    %dma_start3A_203 = tpu.memref_slice %arg9[%dma_start3A_199, %dma_start3A_202] : memref<16x128xi32, #tpu.memory_space<vmem>> -> memref<1x128xi32, #tpu.memory_space<vmem>>
    %dma_start3A_204 = tpu.memref_squeeze %dma_start3A_203 : memref<1x128xi32, #tpu.memory_space<vmem>> -> memref<128xi32, #tpu.memory_space<vmem>>
    %dma_start3A_205 = arith.constant 0 : i32
    %dma_start3A_206 = tpu.memref_slice %arg4[%dma_start3A_205] : memref<16777216xf32, #tpu.memory_space<hbm>> -> memref<16777216xf32, #tpu.memory_space<hbm>>
    tpu.enqueue_indirect_dma source(%dma_start3A_206 : memref<16777216xf32, #tpu.memory_space<hbm>>) target(%dma_start3A_201 : memref<128xf32, #tpu.memory_space<vmem>>) offsets(%dma_start3A_204 : memref<128xi32, #tpu.memory_space<vmem>>) semaphore(%arg13 : memref<!tpu.dma_semaphore, #tpu.memory_space<semaphore_mem>>)
    %dma_start3A_207 = arith.constant 15 : i32
    %dma_start3A_208 = arith.constant 1920 : i32
    %dma_start3A_209 = tpu.memref_slice %arg10[%dma_start3A_208] : memref<2048xf32, #tpu.memory_space<vmem>> -> memref<128xf32, #tpu.memory_space<vmem>>
    %dma_start3A_210 = arith.constant 0 : i32
    %dma_start3A_211 = tpu.memref_slice %arg9[%dma_start3A_207, %dma_start3A_210] : memref<16x128xi32, #tpu.memory_space<vmem>> -> memref<1x128xi32, #tpu.memory_space<vmem>>
    %dma_start3A_212 = tpu.memref_squeeze %dma_start3A_211 : memref<1x128xi32, #tpu.memory_space<vmem>> -> memref<128xi32, #tpu.memory_space<vmem>>
    %dma_start3A_213 = arith.constant 0 : i32
    %dma_start3A_214 = tpu.memref_slice %arg4[%dma_start3A_213] : memref<16777216xf32, #tpu.memory_space<hbm>> -> memref<16777216xf32, #tpu.memory_space<hbm>>
    tpu.enqueue_indirect_dma source(%dma_start3A_214 : memref<16777216xf32, #tpu.memory_space<hbm>>) target(%dma_start3A_209 : memref<128xf32, #tpu.memory_space<vmem>>) offsets(%dma_start3A_212 : memref<128xi32, #tpu.memory_space<vmem>>) semaphore(%arg13 : memref<!tpu.dma_semaphore, #tpu.memory_space<semaphore_mem>>)
    %dma_wait3A_215 = arith.constant 0 : i32
    %dma_wait3A_216 = arith.constant 0 : i32
    %dma_wait3A_217 = tpu.memref_slice %arg10[%dma_wait3A_216] : memref<2048xf32, #tpu.memory_space<vmem>> -> memref<128xf32, #tpu.memory_space<vmem>>
    %dma_wait3A_218 = arith.constant 0 : i32
    %dma_wait3A_219 = tpu.memref_slice %arg9[%dma_wait3A_215, %dma_wait3A_218] : memref<16x128xi32, #tpu.memory_space<vmem>> -> memref<1x128xi32, #tpu.memory_space<vmem>>
    %dma_wait3A_220 = tpu.memref_squeeze %dma_wait3A_219 : memref<1x128xi32, #tpu.memory_space<vmem>> -> memref<128xi32, #tpu.memory_space<vmem>>
    %dma_wait3A_221 = arith.constant 0 : i32
    %dma_wait3A_222 = tpu.memref_slice %arg4[%dma_wait3A_221] : memref<16777216xf32, #tpu.memory_space<hbm>> -> memref<16777216xf32, #tpu.memory_space<hbm>>
    tpu.wait_indirect_dma semaphore(%arg13 : memref<!tpu.dma_semaphore, #tpu.memory_space<semaphore_mem>>) src(%dma_wait3A_222 : memref<16777216xf32, #tpu.memory_space<hbm>>) dst(%dma_wait3A_217 : memref<128xf32, #tpu.memory_space<vmem>>)
    %dma_wait3A_223 = arith.constant 1 : i32
    %dma_wait3A_224 = arith.constant 128 : i32
    %dma_wait3A_225 = tpu.memref_slice %arg10[%dma_wait3A_224] : memref<2048xf32, #tpu.memory_space<vmem>> -> memref<128xf32, #tpu.memory_space<vmem>>
    %dma_wait3A_226 = arith.constant 0 : i32
    %dma_wait3A_227 = tpu.memref_slice %arg9[%dma_wait3A_223, %dma_wait3A_226] : memref<16x128xi32, #tpu.memory_space<vmem>> -> memref<1x128xi32, #tpu.memory_space<vmem>>
    %dma_wait3A_228 = tpu.memref_squeeze %dma_wait3A_227 : memref<1x128xi32, #tpu.memory_space<vmem>> -> memref<128xi32, #tpu.memory_space<vmem>>
    %dma_wait3A_229 = arith.constant 0 : i32
    %dma_wait3A_230 = tpu.memref_slice %arg4[%dma_wait3A_229] : memref<16777216xf32, #tpu.memory_space<hbm>> -> memref<16777216xf32, #tpu.memory_space<hbm>>
    tpu.wait_indirect_dma semaphore(%arg13 : memref<!tpu.dma_semaphore, #tpu.memory_space<semaphore_mem>>) src(%dma_wait3A_230 : memref<16777216xf32, #tpu.memory_space<hbm>>) dst(%dma_wait3A_225 : memref<128xf32, #tpu.memory_space<vmem>>)
    %dma_wait3A_231 = arith.constant 2 : i32
    %dma_wait3A_232 = arith.constant 256 : i32
    %dma_wait3A_233 = tpu.memref_slice %arg10[%dma_wait3A_232] : memref<2048xf32, #tpu.memory_space<vmem>> -> memref<128xf32, #tpu.memory_space<vmem>>
    %dma_wait3A_234 = arith.constant 0 : i32
    %dma_wait3A_235 = tpu.memref_slice %arg9[%dma_wait3A_231, %dma_wait3A_234] : memref<16x128xi32, #tpu.memory_space<vmem>> -> memref<1x128xi32, #tpu.memory_space<vmem>>
    %dma_wait3A_236 = tpu.memref_squeeze %dma_wait3A_235 : memref<1x128xi32, #tpu.memory_space<vmem>> -> memref<128xi32, #tpu.memory_space<vmem>>
    %dma_wait3A_237 = arith.constant 0 : i32
    %dma_wait3A_238 = tpu.memref_slice %arg4[%dma_wait3A_237] : memref<16777216xf32, #tpu.memory_space<hbm>> -> memref<16777216xf32, #tpu.memory_space<hbm>>
    tpu.wait_indirect_dma semaphore(%arg13 : memref<!tpu.dma_semaphore, #tpu.memory_space<semaphore_mem>>) src(%dma_wait3A_238 : memref<16777216xf32, #tpu.memory_space<hbm>>) dst(%dma_wait3A_233 : memref<128xf32, #tpu.memory_space<vmem>>)
    %dma_wait3A_239 = arith.constant 3 : i32
    %dma_wait3A_240 = arith.constant 384 : i32
    %dma_wait3A_241 = tpu.memref_slice %arg10[%dma_wait3A_240] : memref<2048xf32, #tpu.memory_space<vmem>> -> memref<128xf32, #tpu.memory_space<vmem>>
    %dma_wait3A_242 = arith.constant 0 : i32
    %dma_wait3A_243 = tpu.memref_slice %arg9[%dma_wait3A_239, %dma_wait3A_242] : memref<16x128xi32, #tpu.memory_space<vmem>> -> memref<1x128xi32, #tpu.memory_space<vmem>>
    %dma_wait3A_244 = tpu.memref_squeeze %dma_wait3A_243 : memref<1x128xi32, #tpu.memory_space<vmem>> -> memref<128xi32, #tpu.memory_space<vmem>>
    %dma_wait3A_245 = arith.constant 0 : i32
    %dma_wait3A_246 = tpu.memref_slice %arg4[%dma_wait3A_245] : memref<16777216xf32, #tpu.memory_space<hbm>> -> memref<16777216xf32, #tpu.memory_space<hbm>>
    tpu.wait_indirect_dma semaphore(%arg13 : memref<!tpu.dma_semaphore, #tpu.memory_space<semaphore_mem>>) src(%dma_wait3A_246 : memref<16777216xf32, #tpu.memory_space<hbm>>) dst(%dma_wait3A_241 : memref<128xf32, #tpu.memory_space<vmem>>)
    %dma_wait3A_247 = arith.constant 4 : i32
    %dma_wait3A_248 = arith.constant 512 : i32
    %dma_wait3A_249 = tpu.memref_slice %arg10[%dma_wait3A_248] : memref<2048xf32, #tpu.memory_space<vmem>> -> memref<128xf32, #tpu.memory_space<vmem>>
    %dma_wait3A_250 = arith.constant 0 : i32
    %dma_wait3A_251 = tpu.memref_slice %arg9[%dma_wait3A_247, %dma_wait3A_250] : memref<16x128xi32, #tpu.memory_space<vmem>> -> memref<1x128xi32, #tpu.memory_space<vmem>>
    %dma_wait3A_252 = tpu.memref_squeeze %dma_wait3A_251 : memref<1x128xi32, #tpu.memory_space<vmem>> -> memref<128xi32, #tpu.memory_space<vmem>>
    %dma_wait3A_253 = arith.constant 0 : i32
    %dma_wait3A_254 = tpu.memref_slice %arg4[%dma_wait3A_253] : memref<16777216xf32, #tpu.memory_space<hbm>> -> memref<16777216xf32, #tpu.memory_space<hbm>>
    tpu.wait_indirect_dma semaphore(%arg13 : memref<!tpu.dma_semaphore, #tpu.memory_space<semaphore_mem>>) src(%dma_wait3A_254 : memref<16777216xf32, #tpu.memory_space<hbm>>) dst(%dma_wait3A_249 : memref<128xf32, #tpu.memory_space<vmem>>)
    %dma_wait3A_255 = arith.constant 5 : i32
    %dma_wait3A_256 = arith.constant 640 : i32
    %dma_wait3A_257 = tpu.memref_slice %arg10[%dma_wait3A_256] : memref<2048xf32, #tpu.memory_space<vmem>> -> memref<128xf32, #tpu.memory_space<vmem>>
    %dma_wait3A_258 = arith.constant 0 : i32
    %dma_wait3A_259 = tpu.memref_slice %arg9[%dma_wait3A_255, %dma_wait3A_258] : memref<16x128xi32, #tpu.memory_space<vmem>> -> memref<1x128xi32, #tpu.memory_space<vmem>>
    %dma_wait3A_260 = tpu.memref_squeeze %dma_wait3A_259 : memref<1x128xi32, #tpu.memory_space<vmem>> -> memref<128xi32, #tpu.memory_space<vmem>>
    %dma_wait3A_261 = arith.constant 0 : i32
    %dma_wait3A_262 = tpu.memref_slice %arg4[%dma_wait3A_261] : memref<16777216xf32, #tpu.memory_space<hbm>> -> memref<16777216xf32, #tpu.memory_space<hbm>>
    tpu.wait_indirect_dma semaphore(%arg13 : memref<!tpu.dma_semaphore, #tpu.memory_space<semaphore_mem>>) src(%dma_wait3A_262 : memref<16777216xf32, #tpu.memory_space<hbm>>) dst(%dma_wait3A_257 : memref<128xf32, #tpu.memory_space<vmem>>)
    %dma_wait3A_263 = arith.constant 6 : i32
    %dma_wait3A_264 = arith.constant 768 : i32
    %dma_wait3A_265 = tpu.memref_slice %arg10[%dma_wait3A_264] : memref<2048xf32, #tpu.memory_space<vmem>> -> memref<128xf32, #tpu.memory_space<vmem>>
    %dma_wait3A_266 = arith.constant 0 : i32
    %dma_wait3A_267 = tpu.memref_slice %arg9[%dma_wait3A_263, %dma_wait3A_266] : memref<16x128xi32, #tpu.memory_space<vmem>> -> memref<1x128xi32, #tpu.memory_space<vmem>>
    %dma_wait3A_268 = tpu.memref_squeeze %dma_wait3A_267 : memref<1x128xi32, #tpu.memory_space<vmem>> -> memref<128xi32, #tpu.memory_space<vmem>>
    %dma_wait3A_269 = arith.constant 0 : i32
    %dma_wait3A_270 = tpu.memref_slice %arg4[%dma_wait3A_269] : memref<16777216xf32, #tpu.memory_space<hbm>> -> memref<16777216xf32, #tpu.memory_space<hbm>>
    tpu.wait_indirect_dma semaphore(%arg13 : memref<!tpu.dma_semaphore, #tpu.memory_space<semaphore_mem>>) src(%dma_wait3A_270 : memref<16777216xf32, #tpu.memory_space<hbm>>) dst(%dma_wait3A_265 : memref<128xf32, #tpu.memory_space<vmem>>)
    %dma_wait3A_271 = arith.constant 7 : i32
    %dma_wait3A_272 = arith.constant 896 : i32
    %dma_wait3A_273 = tpu.memref_slice %arg10[%dma_wait3A_272] : memref<2048xf32, #tpu.memory_space<vmem>> -> memref<128xf32, #tpu.memory_space<vmem>>
    %dma_wait3A_274 = arith.constant 0 : i32
    %dma_wait3A_275 = tpu.memref_slice %arg9[%dma_wait3A_271, %dma_wait3A_274] : memref<16x128xi32, #tpu.memory_space<vmem>> -> memref<1x128xi32, #tpu.memory_space<vmem>>
    %dma_wait3A_276 = tpu.memref_squeeze %dma_wait3A_275 : memref<1x128xi32, #tpu.memory_space<vmem>> -> memref<128xi32, #tpu.memory_space<vmem>>
    %dma_wait3A_277 = arith.constant 0 : i32
    %dma_wait3A_278 = tpu.memref_slice %arg4[%dma_wait3A_277] : memref<16777216xf32, #tpu.memory_space<hbm>> -> memref<16777216xf32, #tpu.memory_space<hbm>>
    tpu.wait_indirect_dma semaphore(%arg13 : memref<!tpu.dma_semaphore, #tpu.memory_space<semaphore_mem>>) src(%dma_wait3A_278 : memref<16777216xf32, #tpu.memory_space<hbm>>) dst(%dma_wait3A_273 : memref<128xf32, #tpu.memory_space<vmem>>)
    %dma_wait3A_279 = arith.constant 8 : i32
    %dma_wait3A_280 = arith.constant 1024 : i32
    %dma_wait3A_281 = tpu.memref_slice %arg10[%dma_wait3A_280] : memref<2048xf32, #tpu.memory_space<vmem>> -> memref<128xf32, #tpu.memory_space<vmem>>
    %dma_wait3A_282 = arith.constant 0 : i32
    %dma_wait3A_283 = tpu.memref_slice %arg9[%dma_wait3A_279, %dma_wait3A_282] : memref<16x128xi32, #tpu.memory_space<vmem>> -> memref<1x128xi32, #tpu.memory_space<vmem>>
    %dma_wait3A_284 = tpu.memref_squeeze %dma_wait3A_283 : memref<1x128xi32, #tpu.memory_space<vmem>> -> memref<128xi32, #tpu.memory_space<vmem>>
    %dma_wait3A_285 = arith.constant 0 : i32
    %dma_wait3A_286 = tpu.memref_slice %arg4[%dma_wait3A_285] : memref<16777216xf32, #tpu.memory_space<hbm>> -> memref<16777216xf32, #tpu.memory_space<hbm>>
    tpu.wait_indirect_dma semaphore(%arg13 : memref<!tpu.dma_semaphore, #tpu.memory_space<semaphore_mem>>) src(%dma_wait3A_286 : memref<16777216xf32, #tpu.memory_space<hbm>>) dst(%dma_wait3A_281 : memref<128xf32, #tpu.memory_space<vmem>>)
    %dma_wait3A_287 = arith.constant 9 : i32
    %dma_wait3A_288 = arith.constant 1152 : i32
    %dma_wait3A_289 = tpu.memref_slice %arg10[%dma_wait3A_288] : memref<2048xf32, #tpu.memory_space<vmem>> -> memref<128xf32, #tpu.memory_space<vmem>>
    %dma_wait3A_290 = arith.constant 0 : i32
    %dma_wait3A_291 = tpu.memref_slice %arg9[%dma_wait3A_287, %dma_wait3A_290] : memref<16x128xi32, #tpu.memory_space<vmem>> -> memref<1x128xi32, #tpu.memory_space<vmem>>
    %dma_wait3A_292 = tpu.memref_squeeze %dma_wait3A_291 : memref<1x128xi32, #tpu.memory_space<vmem>> -> memref<128xi32, #tpu.memory_space<vmem>>
    %dma_wait3A_293 = arith.constant 0 : i32
    %dma_wait3A_294 = tpu.memref_slice %arg4[%dma_wait3A_293] : memref<16777216xf32, #tpu.memory_space<hbm>> -> memref<16777216xf32, #tpu.memory_space<hbm>>
    tpu.wait_indirect_dma semaphore(%arg13 : memref<!tpu.dma_semaphore, #tpu.memory_space<semaphore_mem>>) src(%dma_wait3A_294 : memref<16777216xf32, #tpu.memory_space<hbm>>) dst(%dma_wait3A_289 : memref<128xf32, #tpu.memory_space<vmem>>)
    %dma_wait3A_295 = arith.constant 10 : i32
    %dma_wait3A_296 = arith.constant 1280 : i32
    %dma_wait3A_297 = tpu.memref_slice %arg10[%dma_wait3A_296] : memref<2048xf32, #tpu.memory_space<vmem>> -> memref<128xf32, #tpu.memory_space<vmem>>
    %dma_wait3A_298 = arith.constant 0 : i32
    %dma_wait3A_299 = tpu.memref_slice %arg9[%dma_wait3A_295, %dma_wait3A_298] : memref<16x128xi32, #tpu.memory_space<vmem>> -> memref<1x128xi32, #tpu.memory_space<vmem>>
    %dma_wait3A_300 = tpu.memref_squeeze %dma_wait3A_299 : memref<1x128xi32, #tpu.memory_space<vmem>> -> memref<128xi32, #tpu.memory_space<vmem>>
    %dma_wait3A_301 = arith.constant 0 : i32
    %dma_wait3A_302 = tpu.memref_slice %arg4[%dma_wait3A_301] : memref<16777216xf32, #tpu.memory_space<hbm>> -> memref<16777216xf32, #tpu.memory_space<hbm>>
    tpu.wait_indirect_dma semaphore(%arg13 : memref<!tpu.dma_semaphore, #tpu.memory_space<semaphore_mem>>) src(%dma_wait3A_302 : memref<16777216xf32, #tpu.memory_space<hbm>>) dst(%dma_wait3A_297 : memref<128xf32, #tpu.memory_space<vmem>>)
    %dma_wait3A_303 = arith.constant 11 : i32
    %dma_wait3A_304 = arith.constant 1408 : i32
    %dma_wait3A_305 = tpu.memref_slice %arg10[%dma_wait3A_304] : memref<2048xf32, #tpu.memory_space<vmem>> -> memref<128xf32, #tpu.memory_space<vmem>>
    %dma_wait3A_306 = arith.constant 0 : i32
    %dma_wait3A_307 = tpu.memref_slice %arg9[%dma_wait3A_303, %dma_wait3A_306] : memref<16x128xi32, #tpu.memory_space<vmem>> -> memref<1x128xi32, #tpu.memory_space<vmem>>
    %dma_wait3A_308 = tpu.memref_squeeze %dma_wait3A_307 : memref<1x128xi32, #tpu.memory_space<vmem>> -> memref<128xi32, #tpu.memory_space<vmem>>
    %dma_wait3A_309 = arith.constant 0 : i32
    %dma_wait3A_310 = tpu.memref_slice %arg4[%dma_wait3A_309] : memref<16777216xf32, #tpu.memory_space<hbm>> -> memref<16777216xf32, #tpu.memory_space<hbm>>
    tpu.wait_indirect_dma semaphore(%arg13 : memref<!tpu.dma_semaphore, #tpu.memory_space<semaphore_mem>>) src(%dma_wait3A_310 : memref<16777216xf32, #tpu.memory_space<hbm>>) dst(%dma_wait3A_305 : memref<128xf32, #tpu.memory_space<vmem>>)
    %dma_wait3A_311 = arith.constant 12 : i32
    %dma_wait3A_312 = arith.constant 1536 : i32
    %dma_wait3A_313 = tpu.memref_slice %arg10[%dma_wait3A_312] : memref<2048xf32, #tpu.memory_space<vmem>> -> memref<128xf32, #tpu.memory_space<vmem>>
    %dma_wait3A_314 = arith.constant 0 : i32
    %dma_wait3A_315 = tpu.memref_slice %arg9[%dma_wait3A_311, %dma_wait3A_314] : memref<16x128xi32, #tpu.memory_space<vmem>> -> memref<1x128xi32, #tpu.memory_space<vmem>>
    %dma_wait3A_316 = tpu.memref_squeeze %dma_wait3A_315 : memref<1x128xi32, #tpu.memory_space<vmem>> -> memref<128xi32, #tpu.memory_space<vmem>>
    %dma_wait3A_317 = arith.constant 0 : i32
    %dma_wait3A_318 = tpu.memref_slice %arg4[%dma_wait3A_317] : memref<16777216xf32, #tpu.memory_space<hbm>> -> memref<16777216xf32, #tpu.memory_space<hbm>>
    tpu.wait_indirect_dma semaphore(%arg13 : memref<!tpu.dma_semaphore, #tpu.memory_space<semaphore_mem>>) src(%dma_wait3A_318 : memref<16777216xf32, #tpu.memory_space<hbm>>) dst(%dma_wait3A_313 : memref<128xf32, #tpu.memory_space<vmem>>)
    %dma_wait3A_319 = arith.constant 13 : i32
    %dma_wait3A_320 = arith.constant 1664 : i32
    %dma_wait3A_321 = tpu.memref_slice %arg10[%dma_wait3A_320] : memref<2048xf32, #tpu.memory_space<vmem>> -> memref<128xf32, #tpu.memory_space<vmem>>
    %dma_wait3A_322 = arith.constant 0 : i32
    %dma_wait3A_323 = tpu.memref_slice %arg9[%dma_wait3A_319, %dma_wait3A_322] : memref<16x128xi32, #tpu.memory_space<vmem>> -> memref<1x128xi32, #tpu.memory_space<vmem>>
    %dma_wait3A_324 = tpu.memref_squeeze %dma_wait3A_323 : memref<1x128xi32, #tpu.memory_space<vmem>> -> memref<128xi32, #tpu.memory_space<vmem>>
    %dma_wait3A_325 = arith.constant 0 : i32
    %dma_wait3A_326 = tpu.memref_slice %arg4[%dma_wait3A_325] : memref<16777216xf32, #tpu.memory_space<hbm>> -> memref<16777216xf32, #tpu.memory_space<hbm>>
    tpu.wait_indirect_dma semaphore(%arg13 : memref<!tpu.dma_semaphore, #tpu.memory_space<semaphore_mem>>) src(%dma_wait3A_326 : memref<16777216xf32, #tpu.memory_space<hbm>>) dst(%dma_wait3A_321 : memref<128xf32, #tpu.memory_space<vmem>>)
    %dma_wait3A_327 = arith.constant 14 : i32
    %dma_wait3A_328 = arith.constant 1792 : i32
    %dma_wait3A_329 = tpu.memref_slice %arg10[%dma_wait3A_328] : memref<2048xf32, #tpu.memory_space<vmem>> -> memref<128xf32, #tpu.memory_space<vmem>>
    %dma_wait3A_330 = arith.constant 0 : i32
    %dma_wait3A_331 = tpu.memref_slice %arg9[%dma_wait3A_327, %dma_wait3A_330] : memref<16x128xi32, #tpu.memory_space<vmem>> -> memref<1x128xi32, #tpu.memory_space<vmem>>
    %dma_wait3A_332 = tpu.memref_squeeze %dma_wait3A_331 : memref<1x128xi32, #tpu.memory_space<vmem>> -> memref<128xi32, #tpu.memory_space<vmem>>
    %dma_wait3A_333 = arith.constant 0 : i32
    %dma_wait3A_334 = tpu.memref_slice %arg4[%dma_wait3A_333] : memref<16777216xf32, #tpu.memory_space<hbm>> -> memref<16777216xf32, #tpu.memory_space<hbm>>
    tpu.wait_indirect_dma semaphore(%arg13 : memref<!tpu.dma_semaphore, #tpu.memory_space<semaphore_mem>>) src(%dma_wait3A_334 : memref<16777216xf32, #tpu.memory_space<hbm>>) dst(%dma_wait3A_329 : memref<128xf32, #tpu.memory_space<vmem>>)
    %dma_wait3A_335 = arith.constant 15 : i32
    %dma_wait3A_336 = arith.constant 1920 : i32
    %dma_wait3A_337 = tpu.memref_slice %arg10[%dma_wait3A_336] : memref<2048xf32, #tpu.memory_space<vmem>> -> memref<128xf32, #tpu.memory_space<vmem>>
    %dma_wait3A_338 = arith.constant 0 : i32
    %dma_wait3A_339 = tpu.memref_slice %arg9[%dma_wait3A_335, %dma_wait3A_338] : memref<16x128xi32, #tpu.memory_space<vmem>> -> memref<1x128xi32, #tpu.memory_space<vmem>>
    %dma_wait3A_340 = tpu.memref_squeeze %dma_wait3A_339 : memref<1x128xi32, #tpu.memory_space<vmem>> -> memref<128xi32, #tpu.memory_space<vmem>>
    %dma_wait3A_341 = arith.constant 0 : i32
    %dma_wait3A_342 = tpu.memref_slice %arg4[%dma_wait3A_341] : memref<16777216xf32, #tpu.memory_space<hbm>> -> memref<16777216xf32, #tpu.memory_space<hbm>>
    tpu.wait_indirect_dma semaphore(%arg13 : memref<!tpu.dma_semaphore, #tpu.memory_space<semaphore_mem>>) src(%dma_wait3A_342 : memref<16777216xf32, #tpu.memory_space<hbm>>) dst(%dma_wait3A_337 : memref<128xf32, #tpu.memory_space<vmem>>)
    "tpu.region"() ({
      %run_scoped3A = tpu.sem_alloc : memref<!tpu.dma_semaphore, #tpu.memory_space<semaphore_mem>>
      %dma_start3A_343 = tpu.memref_slice %arg5[%mul3A_2] : memref<65536xf32, #tpu.memory_space<hbm>> -> memref<2048xf32, #tpu.memory_space<hbm>>
      %dma_start3A_344 = tpu.memref_slice %arg5[%mul3A_2] : memref<65536xf32, #tpu.memory_space<hbm>> -> memref<2048xf32, #tpu.memory_space<hbm>>
      tpu.enqueue_dma source(%arg10 : memref<2048xf32, #tpu.memory_space<vmem>>) target(%dma_start3A_344 : memref<2048xf32, #tpu.memory_space<hbm>>) target_semaphore(%run_scoped3A : memref<!tpu.dma_semaphore, #tpu.memory_space<semaphore_mem>>)
      %dma_wait3A_345 = tpu.memref_slice %arg5[%mul3A_2] : memref<65536xf32, #tpu.memory_space<hbm>> -> memref<2048xf32, #tpu.memory_space<hbm>>
      %dma_wait3A_346 = tpu.memref_slice %arg5[%mul3A_2] : memref<65536xf32, #tpu.memory_space<hbm>> -> memref<2048xf32, #tpu.memory_space<hbm>>
      tpu.wait_dma2 semaphore(%run_scoped3A : memref<!tpu.dma_semaphore, #tpu.memory_space<semaphore_mem>>) src(%arg10 : memref<2048xf32, #tpu.memory_space<vmem>>) dst(%dma_wait3A_346 : memref<2048xf32, #tpu.memory_space<hbm>>)
      tpu.yield
    }) : () -> ()
    return
  }
}

</mosaic_0001>

<sc_bundles>
// kernel: kernel.3.cloned.1.call-start
scs
__scs_entry_jumppad:
0x0: {  	(pc) =	sbr.rel $0x88, $3  }
0x1: {  	(tag) =	ssettag $0x0;
	lr =	simm.s32 $0x1  }
0x2: {  	[smem:$0x3F9E] =	sst lr;
	_ =	strace $0xD0000000  }
0x3: {  	_ = 	snop  }
0x4: {  	_ = 	snop  }
0x5: {  	_ = 	snop  }
0x6: {  	_ = 	snop  }
0x7: {  	_ = 	snop  }
__scs_overlays_trampoline_lowered:
0x8: {  	[smem:$0x3FAD] =	sst s0  }
0x9: {  	[smem:$0x3FAE] =	sst s1  }
0xa: {  	[smem:$0x3FAF] =	sst s2  }
0xb: {  	[smem:$0x3FB0] =	sst s3  }
0xc: {  	[smem:$0x3FB1] =	sst s4  }
0xd: {  	[smem:$0x3FB2] =	sst s5  }
0xe: {  	[smem:$0x3FB3] =	sst s6  }
0xf: {  	[smem:$0x3FB4] =	sst s7  }
0x10: {  	[smem:$0x3FB5] =	sst s8  }
0x11: {  	[smem:$0x3FB6] =	sst s9;
	s0 =	simm.s32 @!p0 $0x0  }
0x12: {  	s1 =	sld [smem:$0x3F9C];
	s0 =	simm.s32 @p0 $0x1  }
0x13: {  	[smem:$0x3FB7] =	sst s0;
	s0 =	simm.s32 @!p1 $0x0  }
0x14: {  	s2 =	sld [smem:$0x3F9B];
	s0 =	simm.s32 @p1 $0x1  }
0x15: {  	[smem:$0x3FB8] =	sst s0;
	s0 =	simm.s32 @!p2 $0x0  }
0x16: {  	s3 =	sld [smem:$0x3FDB];
	s0 =	simm.s32 @p2 $0x1  }
0x17: {  	s4 =	simm.s32 $0x1BF5;
	[smem:$0x3FBA] =	sst s0  }
0x18: {  	s0 =	sld [smem:$0x3F9D];
	_ =	swait.ge [sflag:s4], $0x0  }
0x19: {  	s7 =	sld [smem:$0x3F9E]  }
0x1a: {  	s8 =	sadd.s32 $0xFFFFE003, lr  }
0x1b: {  	s9 =	sadd.s32 $0xFFFFFEF7, lr;
	s5 =	simm.s32 $0xFFFFFFFF;
	p2 =	slt.u32 s8, $0xFFFFF086  }
0x1c: {  	p1 =	slt.u32 s9, $0xF7A;
	s5 =	simm.s32 @!p2 $0x0  }
0x1d: {  	s5 =	simm.s32 @p1 $0x1;
	p0 =	seq.s32 s7, s2  }
0x1e: {  	s7 =	smul.u32 @!p0 $0xF7A, s2;
	p2 =	seq.s32 @!p0 s5, $0x0  }
0x1f: {  	s9 =	smul.u32 $0xF7A, s1;
	s8 =	simm.s32 @!p0 $0x1BF5;
	p2 =	por !p2, p0  }
0x20: {  	[sflag:s8] =	ssyncset.s32 @!p0 $0xFFFFF086;
	s6 =	sadd.s32 @!p0 s3, s7;
	s7 =	simm.s32 @!p0 $0x108  }
0x21: {  	s3 =	sadd.s32 s3, s9;
	s6 =	sadd.s32 @!p0 $0x88, s6;
	s7 =	simm.s32 @p2 $0x1082  }
0x22: {  	[simem:s7], [sflag:s8] =	dma.local @!p0 [hbm:s6], $0xF7A  }
0x23: {  	s9 =	sor.u32 $0xD0000000, s2;
	s6 =	simm.s32 $0x108;
	_ =	swait.ge @!p0 [sflag:s8], $0x0  }
0x24: {  	s3 =	sadd.s32 $0x88, s3;
	s6 =	simm.s32 @!p1 $0x1082;
	[sflag:s4] =	ssyncset.s32 $0xFFFFF086  }
0x25: {  	[simem:s6], [sflag:s4] =	dma.local [hbm:s3], $0xF7A  }
0x26: {  	[smem:$0x3F9E] =	sst s1;
	(tag) =	ssettag s2;
	_ =	strace s9  }
0x27: {  	s1 =	sld [smem:$0x3FAE]  }
0x28: {  	s2 =	sld [smem:$0x3FAF]  }
0x29: {  	s4 =	sld [smem:$0x3FB1]  }
0x2a: {  	p0 =	seq.s32 s5, $0x0;
	s5 =	sld [smem:$0x3FB2]  }
0x2b: {  	s6 =	sld [smem:$0x3FB3]  }
0x2c: {  	s7 =	sld [smem:$0x3FB4]  }
0x2d: {  	s3 =	simm.s32 $0x108;
	s8 =	sld [smem:$0x3FB5]  }
0x2e: {  	s3 =	simm.s32 @!p0 $0x1082;
	s9 =	sld [smem:$0x3FB6]  }
0x2f: {  	lr =	sadd.s32 s0, s3;
	s0 =	sld [smem:$0x3FAD]  }
0x30: {  	s3 =	sld [smem:$0x3FB0]  }
0x31: {  	[smem:$0x3FB9] =	sst s10  }
0x32: {  	s10 =	sld [smem:$0x3FB7];
	_ =	sdelay $0x3  }
0x33: {  	p0 =	seq.s32 s10, $0x1;
	s10 =	sld [smem:$0x3FB9];
	_ =	sdelay $0x3  }
0x34: {  	[smem:$0x3FB9] =	sst s10  }
0x35: {  	s10 =	sld [smem:$0x3FB8];
	_ =	sdelay $0x3  }
0x36: {  	p1 =	seq.s32 s10, $0x1;
	s10 =	sld [smem:$0x3FB9];
	_ =	sdelay $0x3  }
0x37: {  	[smem:$0x3FB9] =	sst s10  }
0x38: {  	s10 =	sld [smem:$0x3FBA]  }
0x39: {  	_ = 	snop;
	(pc) =	sbr.ind lr, $3  }
0x3a: {  	_ = 	snop  }
0x3b: {  	_ = 	snop  }
0x3c: {  	p2 =	seq.s32 s10, $0x1;
	s10 =	sld [smem:$0x3FB9]  }
0x3d: {  	_ =	shalt  }
0x3e: {  	_ =	shalt  }
0x3f: {  	_ =	shalt  }
0x40: {  	_ =	shalt  }
0x41: {  	_ =	shalt  }
0x42: {  	_ =	shalt  }
0x43: {  	_ =	shalt  }
0x44: {  	_ =	shalt  }
0x45: {  	_ =	shalt  }
0x46: {  	_ =	shalt  }
0x47: {  	_ =	shalt  }
0x48: {  	_ =	shalt  }
0x49: {  	_ =	shalt  }
0x4a: {  	_ =	shalt  }
0x4b: {  	_ =	shalt  }
0x4c: {  	_ =	shalt  }
0x4d: {  	_ =	shalt  }
0x4e: {  	_ =	shalt  }
0x4f: {  	_ =	shalt  }
0x50: {  	_ =	shalt  }
0x51: {  	_ =	shalt  }
0x52: {  	_ =	shalt  }
0x53: {  	_ =	shalt  }
0x54: {  	_ =	shalt  }
0x55: {  	_ =	shalt  }
0x56: {  	_ =	shalt  }
0x57: {  	_ =	shalt  }
0x58: {  	_ =	shalt  }
0x59: {  	_ =	shalt  }
0x5a: {  	_ =	shalt  }
0x5b: {  	_ =	shalt  }
0x5c: {  	_ =	shalt  }
0x5d: {  	_ =	shalt  }
0x5e: {  	_ =	shalt  }
0x5f: {  	_ =	shalt  }
0x60: {  	_ =	shalt  }
0x61: {  	_ =	shalt  }
0x62: {  	_ =	shalt  }
0x63: {  	_ =	shalt  }
0x64: {  	_ =	shalt  }
0x65: {  	_ =	shalt  }
0x66: {  	_ =	shalt  }
0x67: {  	_ =	shalt  }
0x68: {  	_ =	shalt  }
0x69: {  	_ =	shalt  }
0x6a: {  	_ =	shalt  }
0x6b: {  	_ =	shalt  }
0x6c: {  	_ =	shalt  }
0x6d: {  	_ =	shalt  }
0x6e: {  	_ =	shalt  }
0x6f: {  	_ =	shalt  }
0x70: {  	_ =	shalt  }
0x71: {  	_ =	shalt  }
0x72: {  	_ =	shalt  }
0x73: {  	_ =	shalt  }
0x74: {  	_ =	shalt  }
0x75: {  	_ =	shalt  }
0x76: {  	_ =	shalt  }
0x77: {  	_ =	shalt  }
0x78: {  	_ =	shalt  }
0x79: {  	_ =	shalt  }
0x7a: {  	_ =	shalt  }
0x7b: {  	_ =	shalt  }
0x7c: {  	_ =	shalt  }
0x7d: {  	_ =	shalt  }
0x7e: {  	_ =	shalt  }
0x7f: {  	_ =	shalt  }
0x80: {  	_ =	shalt  }
0x81: {  	_ =	shalt  }
0x82: {  	_ =	shalt  }
0x83: {  	_ =	shalt  }
0x84: {  	_ =	shalt  }
0x85: {  	_ =	shalt  }
0x86: {  	_ =	shalt  }
0x87: {  	_ =	shalt  }
.Lfunc_end0:
.L_simem_size_0:
called_computation_lowered:
.L_overlay_start_0:
0x88: {  	s2 =	sld [smem:$0x3FD9]  }
0x89: {  	s3 =	sld [smem:$0x3FFE];
	_ =	sdelay $0x1  }
0x8a: {  	s1 =	srdreg.scid  }
0x8b: {  	s0 =	sand.u32 $0x1, s1  }
0x8c: {  	s18 =	sshll.u32 s0, $0xA;
	s2 =	sadd.s32 s3, s2  }
0x8d: {  	s2 =	sadd.s32 s2, s18  }
0x8e: {  	[smem:$0x3FC5] =	sst s2  }
0x8f: {  	_ = 	snop  }
0x90: {  	s2 =	sld [smem:$0x3FC9]  }
0x91: {  	s19 =	sld [smem:$0x3FC8]  }
0x92: {  	s4 =	sld [smem:$0x3FC7]  }
0x93: {  	s5 =	sld [smem:$0x3FD0];
	(tm) =	ssettm $0x1  }
0x94: {  	s6 =	sld [smem:$0x3FFB];
	_ =	sdelay $0x3  }
0x95: {  	_ =	strace s6  }
0x96: {  	s6 =	sld [smem:$0x3FFC];
	_ =	sdelay $0x3  }
0x97: {  	_ =	strace s6  }
0x98: {  	s6 =	sld [smem:$0x3FFD];
	_ =	sdelay $0x3  }
0x99: {  	_ =	strace s6  }
0x9a: {  	_ =	strace $0x8FFFFFFF  }
0x9b: {  	s20 =	sld [smem:$0x3FDB];
	_ =	sdelay $0x1  }
0x9c: {  	s7 =	simm.s32 $_scs_section_size  }
0x9d: {  	s8 =	simm.s32 $_size__tile_overlayer_lowered;
	s9 =	simm.s32 $_tile_overlayer_lowered  }
0x9e: {  	s23 =	simm.s32 $0x1BFF;
	s22 =	sshll.u32 s9, $0x1;
	s6 =	sadd.s32 s7, s20  }
0x9f: {  	s10 =	simm.s32 $0x0;
	s21 =	sshll.u32 s8, $0x1;
	s8 =	sadd.s32 s22, s6  }
0xa0: {  	[timem:s10], [sflag:s23] =	dma.local [hbm:s8], s21  }
0xa1: {  	_ =	swait.ge [sflag:s23], s21  }
0xa2: {  	s7 =	ssub.s32 $0x0, s21;
	[sflag:s23] =	ssyncset.done $0x0  }
0xa3: {  	[sflag:s23] =	ssyncadd.s32 s7;
	_ =	sdelay $0x1  }
0xa4: {  	s24 =	simm.s32 $0x1B8B  }
0xa5: {  	_ =	swait.ge [sflag:s24], $0x1  }
0xa6: {  	[sflag:s24] =	ssyncset.done $0x0  }
0xa7: {  	s25 =	simm.s32 $0x1B8E;
	[sflag:s24] =	ssyncadd.s32 $0xFFFFFFFF  }
0xa8: {  	s26 =	simm.s32 $execute0_lowered;
	[smem:$0x3FD2] =	sst s25  }
0xa9: {  	s7 =	sshll.u32 s26, $0x1;
	_ =	strace $0x80000046;
	[dreg:$0x1] =	wrdreg $0xFFFFFFFF  }
0xaa: {  	s28 =	simm.s32 $_size_execute0_lowered;
	s6 =	sadd.s32 s6, s7;
	[dreg:$0x0] =	wrdreg $0x0  }
0xab: {  	s7 =	sshll.u32 s28, $0x1;
	[dreg:$0x2] =	wrdreg s6  }
0xac: {  	[dreg:$0x3] =	wrdreg s7  }
0xad: {  	[dreg:$0x4] =	wrdreg $0xC0  }
0xae: {  	_ =	task [dreg:s10], $0x5FFFF  }
0xaf: {  	[dreg:$0x1] =	wrdreg $0xFFFFFFFF  }
0xb0: {  	[dreg:$0x0] =	wrdreg $0x60  }
0xb1: {  	[dreg:$0x2] =	wrdreg s2  }
0xb2: {  	[dreg:$0x3] =	wrdreg s19  }
0xb3: {  	[dreg:$0x4] =	wrdreg s4  }
0xb4: {  	[dreg:$0x5] =	wrdreg s5  }
0xb5: {  	[dreg:$0x6] =	wrdreg $0x40000  }
0xb6: {  	[dreg:$0x7] =	wrdreg $0x9  }
0xb7: {  	_ =	task.clear_ibuf [dreg:s10], $0x8FFFF;
	_ =	strace $0x90000046  }
0xb8: {  	s29 =	simm.s32 $0x9;
	_ =	strace $0x80000048  }
0xb9: {  	_ =	swait.ge [sflag:s29], $0x1  }
0xba: {  	[sflag:s29] =	ssyncadd.s32 $0xFFFFFFFF  }
0xbb: {  	_ =	strace $0x90000048  }
0xbc: {  	_ =	sfence  }
0xbd: {  	s30 =	sld [smem:$0x0];
	_ =	sdelay $0x2  }
0xbe: {  	s31 =	sshll.u32 s1, $0xD;
	s1 =	sshrl.u32 s1, $0x2  }
0xbf: {  	s3 =	sand.u32 $0x4000, s31;
	s1 =	sadd.s32 s1, s30  }
0xc0: {  	s0 =	sor.u32 s3, s0;
	s1 =	sshll.u32 s1, $0x11  }
0xc1: {  	s0 =	sor.u32 s1, s0  }
0xc2: {  	s0 =	sadd.s32 $0x8F2B, s0  }
0xc3: {  	[sflag:s0] =	ssyncadd.remote.s32 $0x1  }
0xc4: {  	_ =	sfence.sel $0xFFFF  }
0xc5: {  	[dreg:$0x0] =	wrdreg $0xFFFFFFFF;
	(pc) =	sbr.abs _section_cstart, $3  }
0xc6: {  	[dreg:$0x1] =	wrdreg $0xFFFFFFFF  }
0xc7: {  	_ =	task.clear_ibuf [dreg:s10], $0x2FFFF;
	_ =	strace $0x9FFFFFFF  }
0xc8: {  	(tm) =	ssettm $0x7FFFFFFF  }
0xc9: {  	_ =	shalt  }
tec
execute0_lowered:
.L_overlay_start_1:
0x0: {  	(tag) =	ssettag $0x1  }
0x1: {  	s0 =	rddreg [dreg:$0x1];
	v0 =	vimm.s32 $0xB80;
	vm0 =	vcmask $0x300  }
0x2: {  	s2 =	rddreg [dreg:$0x2];
	vm14 =	vcmask $0x704;
	v0 =	vsel vm0, $0x0, v0  }
0x3: {  	s1 =	rddreg [dreg:$0x3];
	vm15 =	vcmask $0xB08;
	v0 =	vsel vm14, $0x80, v0  }
0x4: {  	s16 =	rddreg [dreg:$0x4];
	vm4 =	vcmask $0xF0C;
	v0 =	vsel vm15, $0x100, v0  }
0x5: {  	s3 =	srdreg.scid;
	s15 =	stileid.u32;
	vm5 =	vcmask $0x1310;
	v0 =	vsel vm4, $0x180, v0  }
0x6: {  	s4 =	simm.s32 $0x0;
	s20 =	simm.s32 $0x1;
	s21 =	simm.s32 $0x2;
	vm6 =	vcmask $0x1714;
	v0 =	vsel vm5, $0x200, v0  }
0x7: {  	s22 =	simm.s32 $0x80;
	s24 =	simm.s32 $0x8C00;
	vm7 =	vcmask $0x1B18;
	s28 =	simm.s32 $0x3;
	v0 =	vsel vm6, $0x280, v0  }
0x8: {  	vm8 =	vcmask $0x1F1C;
	s29 =	simm.s32 $0x4;
	s30 =	simm.s32 $0x0;
	s3 =	sand.u32 $0x1, s3;
	v0 =	vsel vm7, $0x300, v0  }
0x9: {  	vm9 =	vcmask $0x2320;
	s5 =	sshll.u32 s15, $0x1;
	[smem:$0x7FF] =	sst s4;
	s11 =	sshll.u32 s15, $0x14;
	v0 =	vsel vm8, $0x380, v0  }
0xa: {  	vm10 =	vcmask $0x2724;
	p0 =	sne.s32 s15, $0x0;
	s6 =	ssub.s32 $0x2, s3;
	s9 =	sor.u32 s3, s5;
	v0 =	vsel vm9, $0x800, v0  }
0xb: {  	vm11 =	vcmask $0x2B28;
	_ =	strace $0x80000047;
	s3 =	sshll.u32 s3, $0x13;
	s19 =	sshrl.u32 @!p0 s16, $0x3;
	v0 =	vsel vm10, $0x880, v0  }
0xc: {  	vm12 =	vcmask $0x2F2C;
	s25 =	sshrl.u32 s6, $0x1;
	s7 =	sshll.u32 s9, $0xB;
	s26 =	sshll.u32 s9, $0x8;
	v0 =	vsel vm11, $0x900, v0  }
0xd: {  	vm13 =	vcmask $0x3330;
	s31 =	sor.u32 s3, s11;
	s10 =	ssub.s32 s6, s25;
	s5 =	sadd.s32 s0, s7;
	v0 =	vsel vm12, $0x980, v0  }
0xe: {  	vm14 =	vcmask $0x3734;
	s9 =	sadd.s32 s1, s26;
	s11 =	sor.u32 $0x1000, s31;
	s12 =	sor.u32 $0x21000, s31;
	v0 =	vsel vm13, $0xA00, v0  }
0xf: {  	vm15 =	vcmask $0x3B38;
	s13 =	sor.u32 $0x41000, s31;
	s14 =	sor.u32 $0x61000, s31;
	s6 =	sadd.s32 $0x200, s5;
	v0 =	vsel vm14, $0xA80, v0  }
0x10: {  	s7 =	sadd.s32 $0x400, s5;
	s8 =	sadd.s32 $0x600, s5;
	s10 =	smax.u32 s10, $0x1;
	v0 =	vsel vm15, $0xB00, v0  }
.LBB2_1:
0x11: {  	s0 =	simm.s32 $0x4400  }
0x12: {  	[tilespmem:s0], [sflag:$0x2] =	stream.linear.gather [hbm4b:s5+s4], $0x1000, $0x38;
	[tilespmem:$0x9400] =	vst v63  }
0x13: {  	s26 =	simm.s32 $0x5400  }
0x14: {  	[tilespmem:s26], [sflag:$0x2] =	stream.linear.gather [hbm4b:s6+s4], $0x1000, $0x38;
	[tilespmem:$0x9400] =	vst v63  }
0x15: {  	s1 =	simm.s32 $0x6400  }
0x16: {  	[tilespmem:s1], [sflag:$0x2] =	stream.linear.gather [hbm4b:s7+s4], $0x1000, $0x38;
	[tilespmem:$0x9400] =	vst v63  }
0x17: {  	s3 =	simm.s32 $0x7400;
	s0 =	simm.s32 @!p0 $0x1C04;
	s1 =	rddreg [dreg:$0x0]  }
0x18: {  	[tilespmem:s3], [sflag:$0x2] =	stream.linear.gather [hbm4b:s8+s4], $0x1000, $0x38;
	[tilespmem:$0x9400] =	vst v63  }
0x19: {  	[spmem:s19], [sflag:s0] =	dma.local @!p0 [hbm:s1], $0x800  }
0x1a: {  	s0 =	simm.s32 @!p0 $0x4  }
0x1b: {  	_ =	swait.ge @!p0 [sflag:s0], $0x800  }
0x1c: {  	[sflag:s0] =	ssyncset.done @!p0 $0x0  }
0x1d: {  	[sflag:s0] =	ssyncadd.s32 @!p0 $0xFFFFF800  }
0x1e: {  	[bflag:$0x0] =	sbarrier.arrive $0xFFFF  }
0x1f: {  	s15 =	rddreg [dreg:$0x4]  }
0x20: {  	[tilespmem:s4], [sflag:$0x1] =	stream.linear.gather [spmem:s15], $0x4000, $0x38;
	[tilespmem:$0x9400] =	vst v63  }
0x21: {  	_ =	swait.ge [sflag:s20], $0x4000  }
0x22: {  	[sflag:s20] =	ssyncset.done $0x0  }
0x23: {  	s16 =	simm.s32 $0x0;
	[sflag:s20] =	ssyncadd.s32 $0xFFFFC000  }
0x24: {  	s17 =	simm.s32 $0x10;
	s0 =	sand.u32 $0x3FFFFC00, s16;
	_ =	swait.ge [sflag:s21], $0x1000  }
0x25: {  	s1 =	sand.u32 $0x70, s17;
	s0 =	sadd.s32 $0x4400, s0;
	[sflag:s21] =	ssyncset.done $0x0  }
0x26: {  	s3 =	sor.u32 s1, s0;
	[sflag:s21] =	ssyncadd.s32 $0xFFFFF000  }
0x27: {  	v1 =	vld [tilespmem:s3+$0x0]  }
0x28: {  	v2 =	vld [tilespmem:s3+$0x80]  }
0x29: {  	v3 =	vld [tilespmem:s3+$0x100]  }
0x2a: {  	v4 =	vld [tilespmem:s3+$0x180]  }
0x2b: {  	v5 =	vld [tilespmem:s3+$0x200]  }
0x2c: {  	s18 =	simm.s32 $0x0;
	v6 =	vld [tilespmem:s3+$0x280]  }
0x2d: {  	s15 =	sand.u32 $0x60, s18;
	v7 =	vld [tilespmem:s3+$0x300]  }
0x2e: {  	s0 =	sor.u32 s15, s0;
	v8 =	vld [tilespmem:s3+$0x380]  }
0x2f: {  	v10 =	vld [tilespmem:s0+$0x0]  }
0x30: {  	v11 =	vld [tilespmem:s0+$0x100]  }
0x31: {  	v12 =	vld [tilespmem:s0+$0x180]  }
0x32: {  	v13 =	vld [tilespmem:s0+$0x200]  }
0x33: {  	v14 =	vld [tilespmem:s0+$0x280]  }
0x34: {  	v15 =	vld [tilespmem:s0+$0x300]  }
0x35: {  	v9 =	vld.idx.msk [tilespmem:v1+s4+$0x0], $0xffff  }
0x36: {  	v2 =	vld.idx.msk [tilespmem:v2+s4+$0x0], $0xffff  }
0x37: {  	v3 =	vld.idx.msk [tilespmem:v3+s4+$0x0], $0xffff  }
0x38: {  	v4 =	vld.idx.msk [tilespmem:v4+s4+$0x0], $0xffff  }
0x39: {  	v5 =	vld.idx.msk [tilespmem:v5+s4+$0x0], $0xffff  }
0x3a: {  	v1 =	vld [tilespmem:s0+$0x80]  }
0x3b: {  	v6 =	vld.idx.msk [tilespmem:v6+s4+$0x0], $0xffff  }
0x3c: {  	v7 =	vld.idx.msk [tilespmem:v7+s4+$0x0], $0xffff  }
0x3d: {  	v8 =	vld.idx.msk [tilespmem:v8+s4+$0x0], $0xffff  }
0x3e: {  	v10 =	vld.idx.msk [tilespmem:v10+s4+$0x0], $0xffff  }
0x3f: {  	v11 =	vld.idx.msk [tilespmem:v11+s4+$0x0], $0xffff  }
0x40: {  	v12 =	vld.idx.msk [tilespmem:v12+s4+$0x0], $0xffff  }
0x41: {  	v13 =	vld.idx.msk [tilespmem:v13+s4+$0x0], $0xffff  }
0x42: {  	s23 =	simm.s32 $0x100;
	v16 =	vld.idx.msk [tilespmem:v1+s4+$0x0], $0xffff  }
0x43: {  	s31 =	simm.s32 $0x30;
	v1 =	vld [tilespmem:s0+$0x380];
	s0 =	sand.u32 $0x3FFFFC00, s23  }
0x44: {  	s3 =	sand.u32 $0x70, s31;
	v14 =	vld.idx.msk [tilespmem:v14+s4+$0x0], $0xffff;
	s0 =	sadd.s32 $0x4400, s0  }
0x45: {  	v15 =	vld.idx.msk [tilespmem:v15+s4+$0x0], $0xffff;
	s16 =	sor.u32 s3, s0  }
0x46: {  	v17 =	vld [tilespmem:s16+$0x0]  }
0x47: {  	v18 =	vld [tilespmem:s16+$0x80]  }
0x48: {  	v19 =	vld [tilespmem:s16+$0x100]  }
0x49: {  	v20 =	vld [tilespmem:s16+$0x180]  }
0x4a: {  	v2 =	vshll.u32 v2, $0x1;
	v21 =	vld [tilespmem:s16+$0x200]  }
0x4b: {  	v3 =	vshll.u32 v3, $0x2;
	v2 =	vor.u32 v9, v2;
	v9 =	vld [tilespmem:s16+$0x280]  }
0x4c: {  	v2 =	vor.u32 v3, v2;
	v3 =	vshll.u32 v4, $0x3;
	v4 =	vld [tilespmem:s16+$0x300]  }
0x4d: {  	v2 =	vor.u32 v3, v2;
	v3 =	vshll.u32 v5, $0x4;
	v5 =	vld [tilespmem:s16+$0x380]  }
0x4e: {  	v2 =	vor.u32 v3, v2;
	v3 =	vshll.u32 v6, $0x5;
	v6 =	vld.idx.msk [tilespmem:v17+s4+$0x0], $0xffff  }
0x4f: {  	v2 =	vor.u32 v3, v2;
	v3 =	vshll.u32 v7, $0x6;
	v7 =	vld.idx.msk [tilespmem:v18+s4+$0x0], $0xffff  }
0x50: {  	v2 =	vor.u32 v3, v2;
	v3 =	vld.idx.msk [tilespmem:v19+s4+$0x0], $0xffff  }
0x51: {  	v8 =	vshll.u32 v8, $0xA;
	v55 =	vld.idx.msk [tilespmem:v20+s4+$0x0], $0xffff  }
0x52: {  	s25 =	simm.s32 $0x20;
	v11 =	vshll.u32 v11, $0x2;
	v54 =	vshll.u32 v2, $0x3;
	v2 =	vand.u32 $0x7F, v2;
	v56 =	vld.idx.msk [tilespmem:v21+s4+$0x0], $0xffff  }
0x53: {  	s16 =	sand.u32 $0x60, s25;
	v2 =	vor.u32 s11, v2;
	v16 =	vshll.u32 v16, $0x1;
	v17 =	vand.u32 $0xFFFFFC00, v54;
	v9 =	vld.idx.msk [tilespmem:v9+s4+$0x0], $0xffff  }
0x54: {  	s17 =	sor.u32 s16, s0;
	v10 =	vor.u32 v10, v16;
	v2 =	vor.u32 v0, v2;
	v57 =	vld.idx.msk [tilespmem:v4+s4+$0x0], $0xffff;
	v8 =	vor.u32 v8, v17  }
0x55: {  	v4 =	vor.u32 v11, v10;
	v2 =	vadd.s32 v8, v2;
	v8 =	vld [tilespmem:s17+$0x80];
	v7 =	vshll.u32 v7, $0x1  }
0x56: {  	v10 =	vshll.u32 v12, $0x3;
	v11 =	vld [tilespmem:s17+$0x0];
	v3 =	vshll.u32 v3, $0x2;
	v6 =	vor.u32 v6, v7  }
0x57: {  	v58 =	vld [tilespmem:s17+$0x100];
	v4 =	vor.u32 v10, v4;
	v3 =	vor.u32 v3, v6;
	v6 =	vshll.u32 v55, $0x3  }
0x58: {  	v10 =	vld.idx.msk [tilespmem:v5+s4+$0x0], $0xffff;
	v5 =	vshll.u32 v13, $0x4;
	v3 =	vor.u32 v6, v3;
	v6 =	vshll.u32 v56, $0x4  }
0x59: {  	v7 =	vor.u32 v5, v4;
	v4 =	vld [tilespmem:s17+$0x180];
	v5 =	vshll.u32 v9, $0x5;
	v3 =	vor.u32 v6, v3  }
0x5a: {  	v9 =	vshll.u32 v57, $0x6;
	v6 =	vshll.u32 v14, $0x5;
	v3 =	vor.u32 v5, v3;
	v5 =	vld [tilespmem:s17+$0x200]  }
0x5b: {  	s26 =	simm.s32 $0x0;
	v59 =	vshll.u32 v15, $0x6;
	v6 =	vor.u32 v6, v7;
	v7 =	vld [tilespmem:s17+$0x280];
	v3 =	vor.u32 v9, v3  }
0x5c: {  	s18 =	sand.u32 $0x3FFFFF80, s26;
	s23 =	simm.s32 $0x20;
	s0 =	sadd.s32 $0x2000, s11;
	v9 =	vor.u32 v59, v6;
	v6 =	vld [tilespmem:s17+$0x300];
	v60 =	vand.u32 $0x7F, v3;
	v3 =	vshll.u32 v3, $0x3  }
0x5d: {  	s18 =	sadd.s32 $0x8400, s18;
	s23 =	sand.u32 $0x3FFFFF80, s23;
	v10 =	vshll.u32 v10, $0xA;
	v8 =	vld.idx.msk [tilespmem:v8+s4+$0x0], $0xffff;
	v13 =	vor.u32 s0, v60;
	v3 =	vand.u32 $0xFFFFFC00, v3  }
0x5e: {  	s26 =	sor.u32 s1, s18;
	s23 =	sadd.s32 $0x8400, s23;
	s25 =	sadd.s32 $0xFFFFF000, s11;
	v61 =	vand.u32 $0x7F, v9;
	v3 =	vor.u32 v10, v3;
	v10 =	vld.idx.msk [tilespmem:v11+s4+$0x0], $0xffff;
	v11 =	vor.u32 v0, v13  }
0x5f: {  	s1 =	sor.u32 s15, s18;
	s3 =	sor.u32 s3, s23;
	[tilespmem:s26+$0x0] =	vst v2;
	v2 =	vshll.u32 v9, $0x3;
	v9 =	vld [tilespmem:s17+$0x380];
	v62 =	vor.u32 s25, v61;
	v63 =	vadd.s32 v3, v11  }
0x60: {  	s15 =	simm.s32 $0x2;
	s18 =	sadd.s32 $0xFFFFF000, s0;
	s17 =	sor.u32 s16, s23;
	v3 =	vand.u32 $0xFFFFFC00, v2;
	v2 =	vor.u32 v0, v62;
	v11 =	vld.idx.msk [tilespmem:v58+s4+$0x0], $0xffff;
	[tilespmem:s3+$0x0] =	vst v63  }
.LBB2_2:
0x61: {  	s15 =	sadd.s32 $0x2, s15;
	v4 =	vld.idx.msk [tilespmem:v4+s4+$0x0], $0xffff  }
0x62: {  	s3 =	sshll.u32 s15, $0x7;
	p1 =	slt.u32 s15, $0x1E;
	v5 =	vld.idx.msk [tilespmem:v5+s4+$0x0], $0xffff  }
0x63: {  	s31 =	sadd.s32 $0x20, s31;
	v8 =	vshll.u32 v8, $0x1;
	s3 =	sand.u32 $0x3FFFFC00, s3;
	v7 =	vld.idx.msk [tilespmem:v7+s4+$0x0], $0xffff  }
0x64: {  	s23 =	sadd.s32 $0xFFFFFFF0, s31;
	s16 =	sand.u32 $0x70, s31;
	v8 =	vor.u32 v10, v8;
	s25 =	sadd.s32 $0x4400, s3;
	v6 =	vld.idx.msk [tilespmem:v6+s4+$0x0], $0xffff  }
0x65: {  	s3 =	sand.u32 $0x60, s23;
	s26 =	sor.u32 s16, s25;
	v10 =	vld.idx.msk [tilespmem:v1+s4+$0x0], $0xffff;
	v1 =	vmov v9  }
0x66: {  	s23 =	sor.u32 s3, s25;
	v11 =	vshll.u32 v11, $0x2;
	v9 =	vld [tilespmem:s26+$0x0]  }
0x67: {  	v8 =	vor.u32 v11, v8;
	v4 =	vshll.u32 v4, $0x3;
	v12 =	vld [tilespmem:s26+$0x80]  }
0x68: {  	v4 =	vor.u32 v4, v8;
	v5 =	vshll.u32 v5, $0x4;
	v11 =	vld [tilespmem:s26+$0x100]  }
0x69: {  	v4 =	vor.u32 v5, v4;
	v5 =	vshll.u32 v7, $0x5;
	v8 =	vld [tilespmem:s26+$0x180]  }
0x6a: {  	v4 =	vor.u32 v5, v4;
	v5 =	vshll.u32 v6, $0x6;
	v7 =	vld [tilespmem:s26+$0x200]  }
0x6b: {  	v4 =	vor.u32 v5, v4;
	v5 =	vshll.u32 v10, $0xA;
	v6 =	vld [tilespmem:s26+$0x280]  }
0x6c: {  	v13 =	vand.u32 $0x7F, v4;
	v4 =	vshll.u32 v4, $0x3;
	v5 =	vor.u32 v5, v3;
	v10 =	vld [tilespmem:s26+$0x300]  }
0x6d: {  	v13 =	vor.u32 s18, v13;
	v3 =	vand.u32 $0xFFFFFC00, v4;
	v4 =	vadd.s32 v5, v2;
	v14 =	vld [tilespmem:s26+$0x380]  }
0x6e: {  	v2 =	vor.u32 v0, v13;
	v5 =	vld.idx.msk [tilespmem:v9+s4+$0x0], $0xffff;
	[tilespmem:s1+$0x0] =	vst v4;
	s1 =	smov.u32 s17  }
0x6f: {  	v4 =	vld.idx.msk [tilespmem:v12+s4+$0x0], $0xffff  }
0x70: {  	v9 =	vld.idx.msk [tilespmem:v11+s4+$0x0], $0xffff  }
0x71: {  	v8 =	vld.idx.msk [tilespmem:v8+s4+$0x0], $0xffff  }
0x72: {  	v7 =	vld.idx.msk [tilespmem:v7+s4+$0x0], $0xffff  }
0x73: {  	v6 =	vld.idx.msk [tilespmem:v6+s4+$0x0], $0xffff  }
0x74: {  	v10 =	vld.idx.msk [tilespmem:v10+s4+$0x0], $0xffff  }
0x75: {  	v4 =	vshll.u32 v4, $0x1;
	v11 =	vld [tilespmem:s23+$0x80]  }
0x76: {  	v4 =	vor.u32 v5, v4;
	v5 =	vshll.u32 v9, $0x2;
	v12 =	vld [tilespmem:s23+$0x0]  }
0x77: {  	v4 =	vor.u32 v5, v4;
	v5 =	vshll.u32 v8, $0x3;
	v9 =	vld.idx.msk [tilespmem:v14+s4+$0x0], $0xffff  }
0x78: {  	v5 =	vor.u32 v5, v4;
	v7 =	vshll.u32 v7, $0x4;
	v13 =	vld [tilespmem:s23+$0x100]  }
0x79: {  	v7 =	vor.u32 v7, v5;
	v6 =	vshll.u32 v6, $0x5;
	v4 =	vld [tilespmem:s23+$0x180]  }
0x7a: {  	v6 =	vor.u32 v6, v7;
	v8 =	vshll.u32 v10, $0x6;
	v5 =	vld [tilespmem:s23+$0x200]  }
0x7b: {  	v8 =	vor.u32 v8, v6;
	v7 =	vld [tilespmem:s23+$0x280]  }
.Ltmp0:
0x7c: {  	s0 =	sadd.s32 $0x2000, s0;
	s17 =	sshll.u32 s15, $0x4;
	v10 =	vand.u32 $0x7F, v8;
	v14 =	vshll.u32 v8, $0x3;
	v6 =	vld [tilespmem:s23+$0x300];
	(pc) =	sbr.rel @p1 .LBB2_2-.Ltmp0, $4  }
0x7d: {  	s18 =	sadd.s32 $0xFFFFF000, s0;
	s17 =	sand.u32 $0x3FFFFF80, s17;
	v9 =	vshll.u32 v9, $0xA;
	v14 =	vand.u32 $0xFFFFFC00, v14;
	v8 =	vld.idx.msk [tilespmem:v11+s4+$0x0], $0xffff;
	v11 =	vor.u32 s0, v10  }
0x7e: {  	s25 =	sadd.s32 $0x8400, s17;
	v10 =	vld.idx.msk [tilespmem:v12+s4+$0x0], $0xffff;
	v12 =	vor.u32 v9, v14;
	v11 =	vor.u32 v0, v11  }
0x7f: {  	s17 =	sor.u32 s3, s25;
	s3 =	sor.u32 s16, s25;
	v9 =	vld [tilespmem:s23+$0x380];
	v12 =	vadd.s32 v12, v11  }
0x80: {  	v11 =	vld.idx.msk [tilespmem:v13+s4+$0x0], $0xffff;
	[tilespmem:s3+$0x0] =	vst v12  }
0x81: {  	_ =	sdelay $0x3  }
0x82: {  	v4 =	vld.idx.msk [tilespmem:v4+s4+$0x0], $0xffff  }
0x83: {  	v5 =	vld.idx.msk [tilespmem:v5+s4+$0x0], $0xffff  }
0x84: {  	v7 =	vld.idx.msk [tilespmem:v7+s4+$0x0], $0xffff  }
0x85: {  	v6 =	vld.idx.msk [tilespmem:v6+s4+$0x0], $0xffff;
	v8 =	vshll.u32 v8, $0x1  }
0x86: {  	v1 =	vld.idx.msk [tilespmem:v1+s4+$0x0], $0xffff;
	v8 =	vor.u32 v10, v8;
	v10 =	vshll.u32 v11, $0x2  }
0x87: {  	v8 =	vor.u32 v10, v8;
	v4 =	vshll.u32 v4, $0x3  }
0x88: {  	v5 =	vshll.u32 v5, $0x4;
	v4 =	vor.u32 v4, v8;
	v8 =	vld.idx.msk [tilespmem:v9+s4+$0x0], $0xffff  }
0x89: {  	v4 =	vor.u32 v5, v4;
	v5 =	vshll.u32 v7, $0x5  }
0x8a: {  	v4 =	vor.u32 v5, v4;
	v5 =	vshll.u32 v6, $0x6  }
0x8b: {  	v1 =	vshll.u32 v1, $0xA;
	v4 =	vor.u32 v5, v4  }
0x8c: {  	v1 =	vor.u32 v1, v3;
	v5 =	vand.u32 $0x7F, v4;
	v4 =	vshll.u32 v4, $0x3  }
0x8d: {  	v3 =	vor.u32 s18, v5;
	v4 =	vand.u32 $0xFFFFFC00, v4;
	v5 =	vshll.u32 v8, $0xA  }
0x8e: {  	v1 =	vadd.s32 v1, v2;
	v2 =	vor.u32 v0, v3;
	v3 =	vor.u32 v5, v4  }
0x8f: {  	[tilespmem:s1+$0x0] =	vst v1;
	v1 =	vadd.s32 v3, v2  }
0x90: {  	s0 =	simm.s32 $0x8400;
	[tilespmem:s17+$0x0] =	vst v1  }
0x91: {  	[tilespmem:s24], [sflag:$0x3] =	stream.indirect.gather [hbm4b:s2+s22], $0x1, s0, s22, $0xb8;
	[tilespmem:$0x9400] =	vst v63  }
0x92: {  	s23 =	simm.s32 $0x8C80;
	s18 =	simm.s32 $0x8480  }
0x93: {  	[tilespmem:s23], [sflag:$0x3] =	stream.indirect.gather [hbm4b:s2+s22], $0x1, s18, s22, $0xb8;
	[tilespmem:$0x9400] =	vst v63  }
0x94: {  	s25 =	simm.s32 $0x8500;
	s26 =	simm.s32 $0x8D00  }
0x95: {  	[tilespmem:s26], [sflag:$0x3] =	stream.indirect.gather [hbm4b:s2+s22], $0x1, s25, s22, $0xb8;
	[tilespmem:$0x9400] =	vst v63  }
0x96: {  	s3 =	simm.s32 $0x8D80;
	s15 =	simm.s32 $0x1000;
	s1 =	simm.s32 $0x8580  }
0x97: {  	[tilespmem:s3], [sflag:$0x3] =	stream.indirect.gather [hbm4b:s2+s22], $0x1, s1, s22, $0xb8;
	[tilespmem:$0x9400] =	vst v63  }
0x98: {  	s16 =	simm.s32 $0x210;
	s0 =	sand.u32 $0x3FFFFC00, s15;
	_ =	swait.ge [sflag:s21], $0x1000  }
0x99: {  	s0 =	sadd.s32 $0x4400, s0;
	s1 =	sand.u32 $0x70, s16;
	[sflag:s21] =	ssyncset.done $0x0  }
0x9a: {  	s3 =	sor.u32 s1, s0;
	[sflag:s21] =	ssyncadd.s32 $0xFFFFF000  }
0x9b: {  	v1 =	vld [tilespmem:s3+$0x0]  }
0x9c: {  	v2 =	vld [tilespmem:s3+$0x80]  }
0x9d: {  	v3 =	vld [tilespmem:s3+$0x100]  }
0x9e: {  	v4 =	vld [tilespmem:s3+$0x180]  }
0x9f: {  	v5 =	vld [tilespmem:s3+$0x200]  }
0xa0: {  	s17 =	simm.s32 $0x200;
	v6 =	vld [tilespmem:s3+$0x280]  }
0xa1: {  	s15 =	sand.u32 $0x60, s17;
	v7 =	vld [tilespmem:s3+$0x300]  }
0xa2: {  	s0 =	sor.u32 s15, s0;
	v8 =	vld [tilespmem:s3+$0x380]  }
0xa3: {  	v10 =	vld [tilespmem:s0+$0x0]  }
0xa4: {  	v11 =	vld [tilespmem:s0+$0x100]  }
0xa5: {  	v12 =	vld [tilespmem:s0+$0x180]  }
0xa6: {  	v13 =	vld [tilespmem:s0+$0x200]  }
0xa7: {  	v14 =	vld [tilespmem:s0+$0x280]  }
0xa8: {  	v15 =	vld [tilespmem:s0+$0x300]  }
0xa9: {  	v9 =	vld.idx.msk [tilespmem:v1+s4+$0x0], $0xffff  }
0xaa: {  	v2 =	vld.idx.msk [tilespmem:v2+s4+$0x0], $0xffff  }
0xab: {  	v3 =	vld.idx.msk [tilespmem:v3+s4+$0x0], $0xffff  }
0xac: {  	v4 =	vld.idx.msk [tilespmem:v4+s4+$0x0], $0xffff  }
0xad: {  	v5 =	vld.idx.msk [tilespmem:v5+s4+$0x0], $0xffff  }
0xae: {  	v1 =	vld [tilespmem:s0+$0x80]  }
0xaf: {  	v6 =	vld.idx.msk [tilespmem:v6+s4+$0x0], $0xffff  }
0xb0: {  	v7 =	vld.idx.msk [tilespmem:v7+s4+$0x0], $0xffff  }
0xb1: {  	v8 =	vld.idx.msk [tilespmem:v8+s4+$0x0], $0xffff  }
0xb2: {  	v10 =	vld.idx.msk [tilespmem:v10+s4+$0x0], $0xffff  }
0xb3: {  	v11 =	vld.idx.msk [tilespmem:v11+s4+$0x0], $0xffff  }
0xb4: {  	v12 =	vld.idx.msk [tilespmem:v12+s4+$0x0], $0xffff  }
0xb5: {  	v13 =	vld.idx.msk [tilespmem:v13+s4+$0x0], $0xffff  }
0xb6: {  	s18 =	simm.s32 $0x1100;
	v16 =	vld.idx.msk [tilespmem:v1+s4+$0x0], $0xffff  }
0xb7: {  	s31 =	simm.s32 $0x230;
	v1 =	vld [tilespmem:s0+$0x380];
	s0 =	sand.u32 $0x3FFFFC00, s18  }
0xb8: {  	s3 =	sand.u32 $0x70, s31;
	v14 =	vld.idx.msk [tilespmem:v14+s4+$0x0], $0xffff;
	s0 =	sadd.s32 $0x4400, s0  }
0xb9: {  	v15 =	vld.idx.msk [tilespmem:v15+s4+$0x0], $0xffff;
	s16 =	sor.u32 s3, s0  }
0xba: {  	v17 =	vld [tilespmem:s16+$0x0]  }
0xbb: {  	v18 =	vld [tilespmem:s16+$0x80]  }
0xbc: {  	v19 =	vld [tilespmem:s16+$0x100]  }
0xbd: {  	v20 =	vld [tilespmem:s16+$0x180]  }
0xbe: {  	v2 =	vshll.u32 v2, $0x1;
	v21 =	vld [tilespmem:s16+$0x200]  }
0xbf: {  	v3 =	vshll.u32 v3, $0x2;
	v2 =	vor.u32 v9, v2;
	v9 =	vld [tilespmem:s16+$0x280]  }
0xc0: {  	v2 =	vor.u32 v3, v2;
	v3 =	vshll.u32 v4, $0x3;
	v4 =	vld [tilespmem:s16+$0x300]  }
0xc1: {  	v2 =	vor.u32 v3, v2;
	v3 =	vshll.u32 v5, $0x4;
	v5 =	vld [tilespmem:s16+$0x380]  }
0xc2: {  	v2 =	vor.u32 v3, v2;
	v3 =	vshll.u32 v6, $0x5;
	v6 =	vld.idx.msk [tilespmem:v17+s4+$0x0], $0xffff  }
0xc3: {  	v2 =	vor.u32 v3, v2;
	v3 =	vshll.u32 v7, $0x6;
	v7 =	vld.idx.msk [tilespmem:v18+s4+$0x0], $0xffff  }
0xc4: {  	v2 =	vor.u32 v3, v2;
	v3 =	vld.idx.msk [tilespmem:v19+s4+$0x0], $0xffff  }
0xc5: {  	v8 =	vshll.u32 v8, $0xA;
	v55 =	vld.idx.msk [tilespmem:v20+s4+$0x0], $0xffff  }
0xc6: {  	s23 =	simm.s32 $0x220;
	v11 =	vshll.u32 v11, $0x2;
	v54 =	vshll.u32 v2, $0x3;
	v2 =	vand.u32 $0x7F, v2;
	v56 =	vld.idx.msk [tilespmem:v21+s4+$0x0], $0xffff  }
0xc7: {  	s16 =	sand.u32 $0x60, s23;
	v2 =	vor.u32 s12, v2;
	v16 =	vshll.u32 v16, $0x1;
	v17 =	vand.u32 $0xFFFFFC00, v54;
	v9 =	vld.idx.msk [tilespmem:v9+s4+$0x0], $0xffff  }
0xc8: {  	s17 =	sor.u32 s16, s0;
	v10 =	vor.u32 v10, v16;
	v2 =	vor.u32 v0, v2;
	v57 =	vld.idx.msk [tilespmem:v4+s4+$0x0], $0xffff;
	v8 =	vor.u32 v8, v17  }
0xc9: {  	v4 =	vor.u32 v11, v10;
	v2 =	vadd.s32 v8, v2;
	v8 =	vld [tilespmem:s17+$0x80];
	v7 =	vshll.u32 v7, $0x1  }
0xca: {  	v10 =	vshll.u32 v12, $0x3;
	v11 =	vld [tilespmem:s17+$0x0];
	v3 =	vshll.u32 v3, $0x2;
	v6 =	vor.u32 v6, v7  }
0xcb: {  	v58 =	vld [tilespmem:s17+$0x100];
	v4 =	vor.u32 v10, v4;
	v3 =	vor.u32 v3, v6;
	v6 =	vshll.u32 v55, $0x3  }
0xcc: {  	v10 =	vld.idx.msk [tilespmem:v5+s4+$0x0], $0xffff;
	v5 =	vshll.u32 v13, $0x4;
	v3 =	vor.u32 v6, v3;
	v6 =	vshll.u32 v56, $0x4  }
0xcd: {  	v7 =	vor.u32 v5, v4;
	v4 =	vld [tilespmem:s17+$0x180];
	v5 =	vshll.u32 v9, $0x5;
	v3 =	vor.u32 v6, v3  }
0xce: {  	v9 =	vshll.u32 v57, $0x6;
	v6 =	vshll.u32 v14, $0x5;
	v3 =	vor.u32 v5, v3;
	v5 =	vld [tilespmem:s17+$0x200]  }
0xcf: {  	s25 =	simm.s32 $0x200;
	v59 =	vshll.u32 v15, $0x6;
	v6 =	vor.u32 v6, v7;
	v7 =	vld [tilespmem:s17+$0x280];
	v3 =	vor.u32 v9, v3  }
0xd0: {  	s26 =	sand.u32 $0x3FFFFF80, s25;
	s23 =	simm.s32 $0x220;
	s0 =	sadd.s32 $0x2000, s12;
	v9 =	vor.u32 v59, v6;
	v6 =	vld [tilespmem:s17+$0x300];
	v60 =	vand.u32 $0x7F, v3;
	v3 =	vshll.u32 v3, $0x3  }
0xd1: {  	s18 =	sadd.s32 $0x8400, s26;
	s23 =	sand.u32 $0x3FFFFF80, s23;
	v10 =	vshll.u32 v10, $0xA;
	v8 =	vld.idx.msk [tilespmem:v8+s4+$0x0], $0xffff;
	v13 =	vor.u32 s0, v60;
	v3 =	vand.u32 $0xFFFFFC00, v3  }
0xd2: {  	s25 =	sadd.s32 $0xFFFFF000, s12;
	s26 =	sor.u32 s1, s18;
	s23 =	sadd.s32 $0x8400, s23;
	v61 =	vand.u32 $0x7F, v9;
	v3 =	vor.u32 v10, v3;
	v10 =	vld.idx.msk [tilespmem:v11+s4+$0x0], $0xffff;
	v11 =	vor.u32 v0, v13  }
0xd3: {  	s1 =	sor.u32 s15, s18;
	s3 =	sor.u32 s3, s23;
	[tilespmem:s26+$0x0] =	vst v2;
	v2 =	vshll.u32 v9, $0x3;
	v9 =	vld [tilespmem:s17+$0x380];
	v62 =	vor.u32 s25, v61;
	v63 =	vadd.s32 v3, v11  }
0xd4: {  	s15 =	simm.s32 $0x22;
	s18 =	sadd.s32 $0xFFFFF000, s0;
	s17 =	sor.u32 s16, s23;
	v3 =	vand.u32 $0xFFFFFC00, v2;
	v2 =	vor.u32 v0, v62;
	v11 =	vld.idx.msk [tilespmem:v58+s4+$0x0], $0xffff;
	[tilespmem:s3+$0x0] =	vst v63  }
.LBB2_4:
0xd5: {  	s15 =	sadd.s32 $0x2, s15;
	v4 =	vld.idx.msk [tilespmem:v4+s4+$0x0], $0xffff  }
0xd6: {  	s3 =	sshll.u32 s15, $0x7;
	p1 =	slt.u32 s15, $0x3E;
	v5 =	vld.idx.msk [tilespmem:v5+s4+$0x0], $0xffff  }
0xd7: {  	s31 =	sadd.s32 $0x20, s31;
	v8 =	vshll.u32 v8, $0x1;
	s3 =	sand.u32 $0x3FFFFC00, s3;
	v7 =	vld.idx.msk [tilespmem:v7+s4+$0x0], $0xffff  }
0xd8: {  	s23 =	sadd.s32 $0xFFFFFFF0, s31;
	s16 =	sand.u32 $0x70, s31;
	v8 =	vor.u32 v10, v8;
	s25 =	sadd.s32 $0x4400, s3;
	v6 =	vld.idx.msk [tilespmem:v6+s4+$0x0], $0xffff  }
0xd9: {  	s3 =	sand.u32 $0x60, s23;
	s26 =	sor.u32 s16, s25;
	v10 =	vld.idx.msk [tilespmem:v1+s4+$0x0], $0xffff;
	v1 =	vmov v9  }
0xda: {  	s23 =	sor.u32 s3, s25;
	v11 =	vshll.u32 v11, $0x2;
	v9 =	vld [tilespmem:s26+$0x0]  }
0xdb: {  	v8 =	vor.u32 v11, v8;
	v4 =	vshll.u32 v4, $0x3;
	v12 =	vld [tilespmem:s26+$0x80]  }
0xdc: {  	v4 =	vor.u32 v4, v8;
	v5 =	vshll.u32 v5, $0x4;
	v11 =	vld [tilespmem:s26+$0x100]  }
0xdd: {  	v4 =	vor.u32 v5, v4;
	v5 =	vshll.u32 v7, $0x5;
	v8 =	vld [tilespmem:s26+$0x180]  }
0xde: {  	v4 =	vor.u32 v5, v4;
	v5 =	vshll.u32 v6, $0x6;
	v7 =	vld [tilespmem:s26+$0x200]  }
0xdf: {  	v4 =	vor.u32 v5, v4;
	v5 =	vshll.u32 v10, $0xA;
	v6 =	vld [tilespmem:s26+$0x280]  }
0xe0: {  	v13 =	vand.u32 $0x7F, v4;
	v4 =	vshll.u32 v4, $0x3;
	v5 =	vor.u32 v5, v3;
	v10 =	vld [tilespmem:s26+$0x300]  }
0xe1: {  	v13 =	vor.u32 s18, v13;
	v3 =	vand.u32 $0xFFFFFC00, v4;
	v4 =	vadd.s32 v5, v2;
	v14 =	vld [tilespmem:s26+$0x380]  }
0xe2: {  	v2 =	vor.u32 v0, v13;
	v5 =	vld.idx.msk [tilespmem:v9+s4+$0x0], $0xffff;
	[tilespmem:s1+$0x0] =	vst v4;
	s1 =	smov.u32 s17  }
0xe3: {  	v4 =	vld.idx.msk [tilespmem:v12+s4+$0x0], $0xffff  }
0xe4: {  	v9 =	vld.idx.msk [tilespmem:v11+s4+$0x0], $0xffff  }
0xe5: {  	v8 =	vld.idx.msk [tilespmem:v8+s4+$0x0], $0xffff  }
0xe6: {  	v7 =	vld.idx.msk [tilespmem:v7+s4+$0x0], $0xffff  }
0xe7: {  	v6 =	vld.idx.msk [tilespmem:v6+s4+$0x0], $0xffff  }
0xe8: {  	v10 =	vld.idx.msk [tilespmem:v10+s4+$0x0], $0xffff  }
0xe9: {  	v4 =	vshll.u32 v4, $0x1;
	v11 =	vld [tilespmem:s23+$0x80]  }
0xea: {  	v4 =	vor.u32 v5, v4;
	v5 =	vshll.u32 v9, $0x2;
	v12 =	vld [tilespmem:s23+$0x0]  }
0xeb: {  	v4 =	vor.u32 v5, v4;
	v5 =	vshll.u32 v8, $0x3;
	v9 =	vld.idx.msk [tilespmem:v14+s4+$0x0], $0xffff  }
0xec: {  	v5 =	vor.u32 v5, v4;
	v7 =	vshll.u32 v7, $0x4;
	v13 =	vld [tilespmem:s23+$0x100]  }
0xed: {  	v7 =	vor.u32 v7, v5;
	v6 =	vshll.u32 v6, $0x5;
	v4 =	vld [tilespmem:s23+$0x180]  }
0xee: {  	v6 =	vor.u32 v6, v7;
	v8 =	vshll.u32 v10, $0x6;
	v5 =	vld [tilespmem:s23+$0x200]  }
0xef: {  	v8 =	vor.u32 v8, v6;
	v7 =	vld [tilespmem:s23+$0x280]  }
.Ltmp1:
0xf0: {  	s0 =	sadd.s32 $0x2000, s0;
	s17 =	sshll.u32 s15, $0x4;
	v10 =	vand.u32 $0x7F, v8;
	v14 =	vshll.u32 v8, $0x3;
	v6 =	vld [tilespmem:s23+$0x300];
	(pc) =	sbr.rel @p1 .LBB2_4-.Ltmp1, $4  }
0xf1: {  	s18 =	sadd.s32 $0xFFFFF000, s0;
	s17 =	sand.u32 $0x3FFFFF80, s17;
	v9 =	vshll.u32 v9, $0xA;
	v14 =	vand.u32 $0xFFFFFC00, v14;
	v8 =	vld.idx.msk [tilespmem:v11+s4+$0x0], $0xffff;
	v11 =	vor.u32 s0, v10  }
0xf2: {  	s25 =	sadd.s32 $0x8400, s17;
	v10 =	vld.idx.msk [tilespmem:v12+s4+$0x0], $0xffff;
	v12 =	vor.u32 v9, v14;
	v11 =	vor.u32 v0, v11  }
0xf3: {  	s17 =	sor.u32 s3, s25;
	s3 =	sor.u32 s16, s25;
	v9 =	vld [tilespmem:s23+$0x380];
	v12 =	vadd.s32 v12, v11  }
0xf4: {  	v11 =	vld.idx.msk [tilespmem:v13+s4+$0x0], $0xffff;
	[tilespmem:s3+$0x0] =	vst v12  }
0xf5: {  	_ =	sdelay $0x3  }
0xf6: {  	v4 =	vld.idx.msk [tilespmem:v4+s4+$0x0], $0xffff  }
0xf7: {  	v5 =	vld.idx.msk [tilespmem:v5+s4+$0x0], $0xffff  }
0xf8: {  	v7 =	vld.idx.msk [tilespmem:v7+s4+$0x0], $0xffff  }
0xf9: {  	v6 =	vld.idx.msk [tilespmem:v6+s4+$0x0], $0xffff;
	v8 =	vshll.u32 v8, $0x1  }
0xfa: {  	v1 =	vld.idx.msk [tilespmem:v1+s4+$0x0], $0xffff;
	v8 =	vor.u32 v10, v8;
	v10 =	vshll.u32 v11, $0x2  }
0xfb: {  	v8 =	vor.u32 v10, v8;
	v4 =	vshll.u32 v4, $0x3  }
0xfc: {  	v5 =	vshll.u32 v5, $0x4;
	v4 =	vor.u32 v4, v8;
	v8 =	vld.idx.msk [tilespmem:v9+s4+$0x0], $0xffff  }
0xfd: {  	v4 =	vor.u32 v5, v4;
	v5 =	vshll.u32 v7, $0x5  }
0xfe: {  	v4 =	vor.u32 v5, v4;
	v5 =	vshll.u32 v6, $0x6  }
0xff: {  	v1 =	vshll.u32 v1, $0xA;
	v4 =	vor.u32 v5, v4  }
0x100: {  	v1 =	vor.u32 v1, v3;
	v5 =	vand.u32 $0x7F, v4;
	v4 =	vshll.u32 v4, $0x3  }
0x101: {  	v3 =	vor.u32 s18, v5;
	v4 =	vand.u32 $0xFFFFFC00, v4;
	v5 =	vshll.u32 v8, $0xA  }
0x102: {  	v1 =	vadd.s32 v1, v2;
	v2 =	vor.u32 v0, v3;
	v3 =	vor.u32 v5, v4  }
0x103: {  	[tilespmem:s1+$0x0] =	vst v1;
	v1 =	vadd.s32 v3, v2  }
0x104: {  	s0 =	simm.s32 $0x8600;
	[tilespmem:s17+$0x0] =	vst v1;
	s17 =	simm.s32 $0x8E00  }
0x105: {  	[tilespmem:s17], [sflag:$0x3] =	stream.indirect.gather [hbm4b:s2+s22], $0x1, s0, s22, $0xb8;
	[tilespmem:$0x9400] =	vst v63  }
0x106: {  	s23 =	simm.s32 $0x8E80;
	s18 =	simm.s32 $0x8680  }
0x107: {  	[tilespmem:s23], [sflag:$0x3] =	stream.indirect.gather [hbm4b:s2+s22], $0x1, s18, s22, $0xb8;
	[tilespmem:$0x9400] =	vst v63  }
0x108: {  	s25 =	simm.s32 $0x8700;
	s26 =	simm.s32 $0x8F00  }
0x109: {  	[tilespmem:s26], [sflag:$0x3] =	stream.indirect.gather [hbm4b:s2+s22], $0x1, s25, s22, $0xb8;
	[tilespmem:$0x9400] =	vst v63  }
0x10a: {  	s3 =	simm.s32 $0x8F80;
	s15 =	simm.s32 $0x2000;
	s1 =	simm.s32 $0x8780  }
0x10b: {  	[tilespmem:s3], [sflag:$0x3] =	stream.indirect.gather [hbm4b:s2+s22], $0x1, s1, s22, $0xb8;
	[tilespmem:$0x9400] =	vst v63  }
0x10c: {  	s16 =	simm.s32 $0x410;
	s0 =	sand.u32 $0x3FFFFC00, s15;
	_ =	swait.ge [sflag:s21], $0x1000  }
0x10d: {  	s0 =	sadd.s32 $0x4400, s0;
	s1 =	sand.u32 $0x70, s16;
	[sflag:s21] =	ssyncset.done $0x0  }
0x10e: {  	s3 =	sor.u32 s1, s0;
	[sflag:s21] =	ssyncadd.s32 $0xFFFFF000  }
0x10f: {  	v1 =	vld [tilespmem:s3+$0x0]  }
0x110: {  	v2 =	vld [tilespmem:s3+$0x80]  }
0x111: {  	v3 =	vld [tilespmem:s3+$0x100]  }
0x112: {  	v4 =	vld [tilespmem:s3+$0x180]  }
0x113: {  	v5 =	vld [tilespmem:s3+$0x200]  }
0x114: {  	s17 =	simm.s32 $0x400;
	v6 =	vld [tilespmem:s3+$0x280]  }
0x115: {  	s15 =	sand.u32 $0x60, s17;
	v7 =	vld [tilespmem:s3+$0x300]  }
0x116: {  	s0 =	sor.u32 s15, s0;
	v8 =	vld [tilespmem:s3+$0x380]  }
0x117: {  	v10 =	vld [tilespmem:s0+$0x0]  }
0x118: {  	v11 =	vld [tilespmem:s0+$0x100]  }
0x119: {  	v12 =	vld [tilespmem:s0+$0x180]  }
0x11a: {  	v13 =	vld [tilespmem:s0+$0x200]  }
0x11b: {  	v14 =	vld [tilespmem:s0+$0x280]  }
0x11c: {  	v15 =	vld [tilespmem:s0+$0x300]  }
0x11d: {  	v9 =	vld.idx.msk [tilespmem:v1+s4+$0x0], $0xffff  }
0x11e: {  	v2 =	vld.idx.msk [tilespmem:v2+s4+$0x0], $0xffff  }
0x11f: {  	v3 =	vld.idx.msk [tilespmem:v3+s4+$0x0], $0xffff  }
0x120: {  	v4 =	vld.idx.msk [tilespmem:v4+s4+$0x0], $0xffff  }
0x121: {  	v5 =	vld.idx.msk [tilespmem:v5+s4+$0x0], $0xffff  }
0x122: {  	v1 =	vld [tilespmem:s0+$0x80]  }
0x123: {  	v6 =	vld.idx.msk [tilespmem:v6+s4+$0x0], $0xffff  }
0x124: {  	v7 =	vld.idx.msk [tilespmem:v7+s4+$0x0], $0xffff  }
0x125: {  	v8 =	vld.idx.msk [tilespmem:v8+s4+$0x0], $0xffff  }
0x126: {  	v10 =	vld.idx.msk [tilespmem:v10+s4+$0x0], $0xffff  }
0x127: {  	v11 =	vld.idx.msk [tilespmem:v11+s4+$0x0], $0xffff  }
0x128: {  	v12 =	vld.idx.msk [tilespmem:v12+s4+$0x0], $0xffff  }
0x129: {  	v13 =	vld.idx.msk [tilespmem:v13+s4+$0x0], $0xffff  }
0x12a: {  	s18 =	simm.s32 $0x2100;
	v16 =	vld.idx.msk [tilespmem:v1+s4+$0x0], $0xffff  }
0x12b: {  	s31 =	simm.s32 $0x430;
	v1 =	vld [tilespmem:s0+$0x380];
	s0 =	sand.u32 $0x3FFFFC00, s18  }
0x12c: {  	s3 =	sand.u32 $0x70, s31;
	v14 =	vld.idx.msk [tilespmem:v14+s4+$0x0], $0xffff;
	s0 =	sadd.s32 $0x4400, s0  }
0x12d: {  	v15 =	vld.idx.msk [tilespmem:v15+s4+$0x0], $0xffff;
	s16 =	sor.u32 s3, s0  }
0x12e: {  	v17 =	vld [tilespmem:s16+$0x0]  }
0x12f: {  	v18 =	vld [tilespmem:s16+$0x80]  }
0x130: {  	v19 =	vld [tilespmem:s16+$0x100]  }
0x131: {  	v20 =	vld [tilespmem:s16+$0x180]  }
0x132: {  	v2 =	vshll.u32 v2, $0x1;
	v21 =	vld [tilespmem:s16+$0x200]  }
0x133: {  	v3 =	vshll.u32 v3, $0x2;
	v2 =	vor.u32 v9, v2;
	v9 =	vld [tilespmem:s16+$0x280]  }
0x134: {  	v2 =	vor.u32 v3, v2;
	v3 =	vshll.u32 v4, $0x3;
	v4 =	vld [tilespmem:s16+$0x300]  }
0x135: {  	v2 =	vor.u32 v3, v2;
	v3 =	vshll.u32 v5, $0x4;
	v5 =	vld [tilespmem:s16+$0x380]  }
0x136: {  	v2 =	vor.u32 v3, v2;
	v3 =	vshll.u32 v6, $0x5;
	v6 =	vld.idx.msk [tilespmem:v17+s4+$0x0], $0xffff  }
0x137: {  	v2 =	vor.u32 v3, v2;
	v3 =	vshll.u32 v7, $0x6;
	v7 =	vld.idx.msk [tilespmem:v18+s4+$0x0], $0xffff  }
0x138: {  	v2 =	vor.u32 v3, v2;
	v3 =	vld.idx.msk [tilespmem:v19+s4+$0x0], $0xffff  }
0x139: {  	v8 =	vshll.u32 v8, $0xA;
	v55 =	vld.idx.msk [tilespmem:v20+s4+$0x0], $0xffff  }
0x13a: {  	s23 =	simm.s32 $0x420;
	v11 =	vshll.u32 v11, $0x2;
	v54 =	vshll.u32 v2, $0x3;
	v2 =	vand.u32 $0x7F, v2;
	v56 =	vld.idx.msk [tilespmem:v21+s4+$0x0], $0xffff  }
0x13b: {  	s16 =	sand.u32 $0x60, s23;
	v2 =	vor.u32 s13, v2;
	v16 =	vshll.u32 v16, $0x1;
	v17 =	vand.u32 $0xFFFFFC00, v54;
	v9 =	vld.idx.msk [tilespmem:v9+s4+$0x0], $0xffff  }
0x13c: {  	s17 =	sor.u32 s16, s0;
	v10 =	vor.u32 v10, v16;
	v2 =	vor.u32 v0, v2;
	v57 =	vld.idx.msk [tilespmem:v4+s4+$0x0], $0xffff;
	v8 =	vor.u32 v8, v17  }
0x13d: {  	v4 =	vor.u32 v11, v10;
	v2 =	vadd.s32 v8, v2;
	v8 =	vld [tilespmem:s17+$0x80];
	v7 =	vshll.u32 v7, $0x1  }
0x13e: {  	v10 =	vshll.u32 v12, $0x3;
	v11 =	vld [tilespmem:s17+$0x0];
	v3 =	vshll.u32 v3, $0x2;
	v6 =	vor.u32 v6, v7  }
0x13f: {  	v58 =	vld [tilespmem:s17+$0x100];
	v4 =	vor.u32 v10, v4;
	v3 =	vor.u32 v3, v6;
	v6 =	vshll.u32 v55, $0x3  }
0x140: {  	v10 =	vld.idx.msk [tilespmem:v5+s4+$0x0], $0xffff;
	v5 =	vshll.u32 v13, $0x4;
	v3 =	vor.u32 v6, v3;
	v6 =	vshll.u32 v56, $0x4  }
0x141: {  	v7 =	vor.u32 v5, v4;
	v4 =	vld [tilespmem:s17+$0x180];
	v5 =	vshll.u32 v9, $0x5;
	v3 =	vor.u32 v6, v3  }
0x142: {  	v9 =	vshll.u32 v57, $0x6;
	v6 =	vshll.u32 v14, $0x5;
	v3 =	vor.u32 v5, v3;
	v5 =	vld [tilespmem:s17+$0x200]  }
0x143: {  	s25 =	simm.s32 $0x400;
	v59 =	vshll.u32 v15, $0x6;
	v6 =	vor.u32 v6, v7;
	v7 =	vld [tilespmem:s17+$0x280];
	v3 =	vor.u32 v9, v3  }
0x144: {  	s26 =	sand.u32 $0x3FFFFF80, s25;
	s23 =	simm.s32 $0x420;
	s0 =	sadd.s32 $0x2000, s13;
	v9 =	vor.u32 v59, v6;
	v6 =	vld [tilespmem:s17+$0x300];
	v60 =	vand.u32 $0x7F, v3;
	v3 =	vshll.u32 v3, $0x3  }
0x145: {  	s18 =	sadd.s32 $0x8400, s26;
	s23 =	sand.u32 $0x3FFFFF80, s23;
	v10 =	vshll.u32 v10, $0xA;
	v8 =	vld.idx.msk [tilespmem:v8+s4+$0x0], $0xffff;
	v13 =	vor.u32 s0, v60;
	v3 =	vand.u32 $0xFFFFFC00, v3  }
0x146: {  	s25 =	sadd.s32 $0xFFFFF000, s13;
	s26 =	sor.u32 s1, s18;
	s23 =	sadd.s32 $0x8400, s23;
	v61 =	vand.u32 $0x7F, v9;
	v3 =	vor.u32 v10, v3;
	v10 =	vld.idx.msk [tilespmem:v11+s4+$0x0], $0xffff;
	v11 =	vor.u32 v0, v13  }
0x147: {  	s1 =	sor.u32 s15, s18;
	s3 =	sor.u32 s3, s23;
	[tilespmem:s26+$0x0] =	vst v2;
	v2 =	vshll.u32 v9, $0x3;
	v9 =	vld [tilespmem:s17+$0x380];
	v62 =	vor.u32 s25, v61;
	v63 =	vadd.s32 v3, v11  }
0x148: {  	s15 =	simm.s32 $0x42;
	s18 =	sadd.s32 $0xFFFFF000, s0;
	s17 =	sor.u32 s16, s23;
	v3 =	vand.u32 $0xFFFFFC00, v2;
	v2 =	vor.u32 v0, v62;
	v11 =	vld.idx.msk [tilespmem:v58+s4+$0x0], $0xffff;
	[tilespmem:s3+$0x0] =	vst v63  }
.LBB2_6:
0x149: {  	s15 =	sadd.s32 $0x2, s15;
	v4 =	vld.idx.msk [tilespmem:v4+s4+$0x0], $0xffff  }
0x14a: {  	s3 =	sshll.u32 s15, $0x7;
	p1 =	slt.u32 s15, $0x5E;
	v5 =	vld.idx.msk [tilespmem:v5+s4+$0x0], $0xffff  }
0x14b: {  	s31 =	sadd.s32 $0x20, s31;
	v8 =	vshll.u32 v8, $0x1;
	s3 =	sand.u32 $0x3FFFFC00, s3;
	v7 =	vld.idx.msk [tilespmem:v7+s4+$0x0], $0xffff  }
0x14c: {  	s23 =	sadd.s32 $0xFFFFFFF0, s31;
	s16 =	sand.u32 $0x70, s31;
	v8 =	vor.u32 v10, v8;
	s25 =	sadd.s32 $0x4400, s3;
	v6 =	vld.idx.msk [tilespmem:v6+s4+$0x0], $0xffff  }
0x14d: {  	s3 =	sand.u32 $0x60, s23;
	s26 =	sor.u32 s16, s25;
	v10 =	vld.idx.msk [tilespmem:v1+s4+$0x0], $0xffff;
	v1 =	vmov v9  }
0x14e: {  	s23 =	sor.u32 s3, s25;
	v11 =	vshll.u32 v11, $0x2;
	v9 =	vld [tilespmem:s26+$0x0]  }
0x14f: {  	v8 =	vor.u32 v11, v8;
	v4 =	vshll.u32 v4, $0x3;
	v12 =	vld [tilespmem:s26+$0x80]  }
0x150: {  	v4 =	vor.u32 v4, v8;
	v5 =	vshll.u32 v5, $0x4;
	v11 =	vld [tilespmem:s26+$0x100]  }
0x151: {  	v4 =	vor.u32 v5, v4;
	v5 =	vshll.u32 v7, $0x5;
	v8 =	vld [tilespmem:s26+$0x180]  }
0x152: {  	v4 =	vor.u32 v5, v4;
	v5 =	vshll.u32 v6, $0x6;
	v7 =	vld [tilespmem:s26+$0x200]  }
0x153: {  	v4 =	vor.u32 v5, v4;
	v5 =	vshll.u32 v10, $0xA;
	v6 =	vld [tilespmem:s26+$0x280]  }
0x154: {  	v13 =	vand.u32 $0x7F, v4;
	v4 =	vshll.u32 v4, $0x3;
	v5 =	vor.u32 v5, v3;
	v10 =	vld [tilespmem:s26+$0x300]  }
0x155: {  	v13 =	vor.u32 s18, v13;
	v3 =	vand.u32 $0xFFFFFC00, v4;
	v4 =	vadd.s32 v5, v2;
	v14 =	vld [tilespmem:s26+$0x380]  }
0x156: {  	v2 =	vor.u32 v0, v13;
	v5 =	vld.idx.msk [tilespmem:v9+s4+$0x0], $0xffff;
	[tilespmem:s1+$0x0] =	vst v4;
	s1 =	smov.u32 s17  }
0x157: {  	v4 =	vld.idx.msk [tilespmem:v12+s4+$0x0], $0xffff  }
0x158: {  	v9 =	vld.idx.msk [tilespmem:v11+s4+$0x0], $0xffff  }
0x159: {  	v8 =	vld.idx.msk [tilespmem:v8+s4+$0x0], $0xffff  }
0x15a: {  	v7 =	vld.idx.msk [tilespmem:v7+s4+$0x0], $0xffff  }
0x15b: {  	v6 =	vld.idx.msk [tilespmem:v6+s4+$0x0], $0xffff  }
0x15c: {  	v10 =	vld.idx.msk [tilespmem:v10+s4+$0x0], $0xffff  }
0x15d: {  	v4 =	vshll.u32 v4, $0x1;
	v11 =	vld [tilespmem:s23+$0x80]  }
0x15e: {  	v4 =	vor.u32 v5, v4;
	v5 =	vshll.u32 v9, $0x2;
	v12 =	vld [tilespmem:s23+$0x0]  }
0x15f: {  	v4 =	vor.u32 v5, v4;
	v5 =	vshll.u32 v8, $0x3;
	v9 =	vld.idx.msk [tilespmem:v14+s4+$0x0], $0xffff  }
0x160: {  	v5 =	vor.u32 v5, v4;
	v7 =	vshll.u32 v7, $0x4;
	v13 =	vld [tilespmem:s23+$0x100]  }
0x161: {  	v7 =	vor.u32 v7, v5;
	v6 =	vshll.u32 v6, $0x5;
	v4 =	vld [tilespmem:s23+$0x180]  }
0x162: {  	v6 =	vor.u32 v6, v7;
	v8 =	vshll.u32 v10, $0x6;
	v5 =	vld [tilespmem:s23+$0x200]  }
0x163: {  	v8 =	vor.u32 v8, v6;
	v7 =	vld [tilespmem:s23+$0x280]  }
.Ltmp2:
0x164: {  	s0 =	sadd.s32 $0x2000, s0;
	s17 =	sshll.u32 s15, $0x4;
	v10 =	vand.u32 $0x7F, v8;
	v14 =	vshll.u32 v8, $0x3;
	v6 =	vld [tilespmem:s23+$0x300];
	(pc) =	sbr.rel @p1 .LBB2_6-.Ltmp2, $4  }
0x165: {  	s18 =	sadd.s32 $0xFFFFF000, s0;
	s17 =	sand.u32 $0x3FFFFF80, s17;
	v9 =	vshll.u32 v9, $0xA;
	v14 =	vand.u32 $0xFFFFFC00, v14;
	v8 =	vld.idx.msk [tilespmem:v11+s4+$0x0], $0xffff;
	v11 =	vor.u32 s0, v10  }
0x166: {  	s25 =	sadd.s32 $0x8400, s17;
	v10 =	vld.idx.msk [tilespmem:v12+s4+$0x0], $0xffff;
	v12 =	vor.u32 v9, v14;
	v11 =	vor.u32 v0, v11  }
0x167: {  	s17 =	sor.u32 s3, s25;
	s3 =	sor.u32 s16, s25;
	v9 =	vld [tilespmem:s23+$0x380];
	v12 =	vadd.s32 v12, v11  }
0x168: {  	v11 =	vld.idx.msk [tilespmem:v13+s4+$0x0], $0xffff;
	[tilespmem:s3+$0x0] =	vst v12  }
0x169: {  	_ =	sdelay $0x3  }
0x16a: {  	v4 =	vld.idx.msk [tilespmem:v4+s4+$0x0], $0xffff  }
0x16b: {  	v5 =	vld.idx.msk [tilespmem:v5+s4+$0x0], $0xffff  }
0x16c: {  	v7 =	vld.idx.msk [tilespmem:v7+s4+$0x0], $0xffff  }
0x16d: {  	v6 =	vld.idx.msk [tilespmem:v6+s4+$0x0], $0xffff;
	v8 =	vshll.u32 v8, $0x1  }
0x16e: {  	v1 =	vld.idx.msk [tilespmem:v1+s4+$0x0], $0xffff;
	v8 =	vor.u32 v10, v8;
	v10 =	vshll.u32 v11, $0x2  }
0x16f: {  	v8 =	vor.u32 v10, v8;
	v4 =	vshll.u32 v4, $0x3  }
0x170: {  	v5 =	vshll.u32 v5, $0x4;
	v4 =	vor.u32 v4, v8;
	v8 =	vld.idx.msk [tilespmem:v9+s4+$0x0], $0xffff  }
0x171: {  	v4 =	vor.u32 v5, v4;
	v5 =	vshll.u32 v7, $0x5  }
0x172: {  	v4 =	vor.u32 v5, v4;
	v5 =	vshll.u32 v6, $0x6  }
0x173: {  	v1 =	vshll.u32 v1, $0xA;
	v4 =	vor.u32 v5, v4  }
0x174: {  	v1 =	vor.u32 v1, v3;
	v5 =	vand.u32 $0x7F, v4;
	v4 =	vshll.u32 v4, $0x3  }
0x175: {  	v3 =	vor.u32 s18, v5;
	v4 =	vand.u32 $0xFFFFFC00, v4;
	v5 =	vshll.u32 v8, $0xA  }
0x176: {  	v1 =	vadd.s32 v1, v2;
	v2 =	vor.u32 v0, v3;
	v3 =	vor.u32 v5, v4  }
0x177: {  	[tilespmem:s1+$0x0] =	vst v1;
	v1 =	vadd.s32 v3, v2  }
0x178: {  	s0 =	simm.s32 $0x8800;
	[tilespmem:s17+$0x0] =	vst v1;
	s17 =	simm.s32 $0x9000  }
0x179: {  	[tilespmem:s17], [sflag:$0x3] =	stream.indirect.gather [hbm4b:s2+s22], $0x1, s0, s22, $0xb8;
	[tilespmem:$0x9400] =	vst v63  }
0x17a: {  	s23 =	simm.s32 $0x9080;
	s18 =	simm.s32 $0x8880  }
0x17b: {  	[tilespmem:s23], [sflag:$0x3] =	stream.indirect.gather [hbm4b:s2+s22], $0x1, s18, s22, $0xb8;
	[tilespmem:$0x9400] =	vst v63  }
0x17c: {  	s25 =	simm.s32 $0x8900;
	s26 =	simm.s32 $0x9100  }
0x17d: {  	[tilespmem:s26], [sflag:$0x3] =	stream.indirect.gather [hbm4b:s2+s22], $0x1, s25, s22, $0xb8;
	[tilespmem:$0x9400] =	vst v63  }
0x17e: {  	s3 =	simm.s32 $0x9180;
	s15 =	simm.s32 $0x3000;
	s1 =	simm.s32 $0x8980  }
0x17f: {  	[tilespmem:s3], [sflag:$0x3] =	stream.indirect.gather [hbm4b:s2+s22], $0x1, s1, s22, $0xb8;
	[tilespmem:$0x9400] =	vst v63  }
0x180: {  	s16 =	simm.s32 $0x610;
	s0 =	sand.u32 $0x3FFFFC00, s15;
	_ =	swait.ge [sflag:s21], $0x1000  }
0x181: {  	s0 =	sadd.s32 $0x4400, s0;
	s1 =	sand.u32 $0x70, s16;
	[sflag:s21] =	ssyncset.done $0x0  }
0x182: {  	s3 =	sor.u32 s1, s0;
	[sflag:s21] =	ssyncadd.s32 $0xFFFFF000  }
0x183: {  	v1 =	vld [tilespmem:s3+$0x0]  }
0x184: {  	v2 =	vld [tilespmem:s3+$0x80]  }
0x185: {  	v3 =	vld [tilespmem:s3+$0x100]  }
0x186: {  	v4 =	vld [tilespmem:s3+$0x180]  }
0x187: {  	v5 =	vld [tilespmem:s3+$0x200]  }
0x188: {  	s17 =	simm.s32 $0x600;
	v6 =	vld [tilespmem:s3+$0x280]  }
0x189: {  	s15 =	sand.u32 $0x60, s17;
	v7 =	vld [tilespmem:s3+$0x300]  }
0x18a: {  	s0 =	sor.u32 s15, s0;
	v8 =	vld [tilespmem:s3+$0x380]  }
0x18b: {  	v10 =	vld [tilespmem:s0+$0x0]  }
0x18c: {  	v11 =	vld [tilespmem:s0+$0x100]  }
0x18d: {  	v12 =	vld [tilespmem:s0+$0x180]  }
0x18e: {  	v13 =	vld [tilespmem:s0+$0x200]  }
0x18f: {  	v14 =	vld [tilespmem:s0+$0x280]  }
0x190: {  	v15 =	vld [tilespmem:s0+$0x300]  }
0x191: {  	v9 =	vld.idx.msk [tilespmem:v1+s4+$0x0], $0xffff  }
0x192: {  	v2 =	vld.idx.msk [tilespmem:v2+s4+$0x0], $0xffff  }
0x193: {  	v3 =	vld.idx.msk [tilespmem:v3+s4+$0x0], $0xffff  }
0x194: {  	v4 =	vld.idx.msk [tilespmem:v4+s4+$0x0], $0xffff  }
0x195: {  	v5 =	vld.idx.msk [tilespmem:v5+s4+$0x0], $0xffff  }
0x196: {  	v1 =	vld [tilespmem:s0+$0x80]  }
0x197: {  	v6 =	vld.idx.msk [tilespmem:v6+s4+$0x0], $0xffff  }
0x198: {  	v7 =	vld.idx.msk [tilespmem:v7+s4+$0x0], $0xffff  }
0x199: {  	v8 =	vld.idx.msk [tilespmem:v8+s4+$0x0], $0xffff  }
0x19a: {  	v10 =	vld.idx.msk [tilespmem:v10+s4+$0x0], $0xffff  }
0x19b: {  	v11 =	vld.idx.msk [tilespmem:v11+s4+$0x0], $0xffff  }
0x19c: {  	v12 =	vld.idx.msk [tilespmem:v12+s4+$0x0], $0xffff  }
0x19d: {  	v13 =	vld.idx.msk [tilespmem:v13+s4+$0x0], $0xffff  }
0x19e: {  	s18 =	simm.s32 $0x3100;
	v16 =	vld.idx.msk [tilespmem:v1+s4+$0x0], $0xffff  }
0x19f: {  	s31 =	simm.s32 $0x630;
	v1 =	vld [tilespmem:s0+$0x380];
	s0 =	sand.u32 $0x3FFFFC00, s18  }
0x1a0: {  	s3 =	sand.u32 $0x70, s31;
	v14 =	vld.idx.msk [tilespmem:v14+s4+$0x0], $0xffff;
	s0 =	sadd.s32 $0x4400, s0  }
0x1a1: {  	v15 =	vld.idx.msk [tilespmem:v15+s4+$0x0], $0xffff;
	s16 =	sor.u32 s3, s0  }
0x1a2: {  	v17 =	vld [tilespmem:s16+$0x0]  }
0x1a3: {  	v18 =	vld [tilespmem:s16+$0x80]  }
0x1a4: {  	v19 =	vld [tilespmem:s16+$0x100]  }
0x1a5: {  	v20 =	vld [tilespmem:s16+$0x180]  }
0x1a6: {  	v2 =	vshll.u32 v2, $0x1;
	v21 =	vld [tilespmem:s16+$0x200]  }
0x1a7: {  	v3 =	vshll.u32 v3, $0x2;
	v2 =	vor.u32 v9, v2;
	v9 =	vld [tilespmem:s16+$0x280]  }
0x1a8: {  	v2 =	vor.u32 v3, v2;
	v3 =	vshll.u32 v4, $0x3;
	v4 =	vld [tilespmem:s16+$0x300]  }
0x1a9: {  	v2 =	vor.u32 v3, v2;
	v3 =	vshll.u32 v5, $0x4;
	v5 =	vld [tilespmem:s16+$0x380]  }
0x1aa: {  	v2 =	vor.u32 v3, v2;
	v3 =	vshll.u32 v6, $0x5;
	v6 =	vld.idx.msk [tilespmem:v17+s4+$0x0], $0xffff  }
0x1ab: {  	v2 =	vor.u32 v3, v2;
	v3 =	vshll.u32 v7, $0x6;
	v7 =	vld.idx.msk [tilespmem:v18+s4+$0x0], $0xffff  }
0x1ac: {  	v2 =	vor.u32 v3, v2;
	v3 =	vld.idx.msk [tilespmem:v19+s4+$0x0], $0xffff  }
0x1ad: {  	v8 =	vshll.u32 v8, $0xA;
	v55 =	vld.idx.msk [tilespmem:v20+s4+$0x0], $0xffff  }
0x1ae: {  	s23 =	simm.s32 $0x620;
	v11 =	vshll.u32 v11, $0x2;
	v54 =	vshll.u32 v2, $0x3;
	v2 =	vand.u32 $0x7F, v2;
	v56 =	vld.idx.msk [tilespmem:v21+s4+$0x0], $0xffff  }
0x1af: {  	s16 =	sand.u32 $0x60, s23;
	v2 =	vor.u32 s14, v2;
	v16 =	vshll.u32 v16, $0x1;
	v17 =	vand.u32 $0xFFFFFC00, v54;
	v9 =	vld.idx.msk [tilespmem:v9+s4+$0x0], $0xffff  }
0x1b0: {  	s17 =	sor.u32 s16, s0;
	v10 =	vor.u32 v10, v16;
	v2 =	vor.u32 v0, v2;
	v57 =	vld.idx.msk [tilespmem:v4+s4+$0x0], $0xffff;
	v8 =	vor.u32 v8, v17  }
0x1b1: {  	v4 =	vor.u32 v11, v10;
	v2 =	vadd.s32 v8, v2;
	v8 =	vld [tilespmem:s17+$0x80];
	v7 =	vshll.u32 v7, $0x1  }
0x1b2: {  	v10 =	vshll.u32 v12, $0x3;
	v11 =	vld [tilespmem:s17+$0x0];
	v3 =	vshll.u32 v3, $0x2;
	v6 =	vor.u32 v6, v7  }
0x1b3: {  	v58 =	vld [tilespmem:s17+$0x100];
	v4 =	vor.u32 v10, v4;
	v3 =	vor.u32 v3, v6;
	v6 =	vshll.u32 v55, $0x3  }
0x1b4: {  	v10 =	vld.idx.msk [tilespmem:v5+s4+$0x0], $0xffff;
	v5 =	vshll.u32 v13, $0x4;
	v3 =	vor.u32 v6, v3;
	v6 =	vshll.u32 v56, $0x4  }
0x1b5: {  	v7 =	vor.u32 v5, v4;
	v4 =	vld [tilespmem:s17+$0x180];
	v5 =	vshll.u32 v9, $0x5;
	v3 =	vor.u32 v6, v3  }
0x1b6: {  	v9 =	vshll.u32 v57, $0x6;
	v6 =	vshll.u32 v14, $0x5;
	v3 =	vor.u32 v5, v3;
	v5 =	vld [tilespmem:s17+$0x200]  }
0x1b7: {  	s25 =	simm.s32 $0x600;
	v59 =	vshll.u32 v15, $0x6;
	v6 =	vor.u32 v6, v7;
	v7 =	vld [tilespmem:s17+$0x280];
	v3 =	vor.u32 v9, v3  }
0x1b8: {  	s26 =	sand.u32 $0x3FFFFF80, s25;
	s23 =	simm.s32 $0x620;
	s0 =	sadd.s32 $0x2000, s14;
	v9 =	vor.u32 v59, v6;
	v6 =	vld [tilespmem:s17+$0x300];
	v60 =	vand.u32 $0x7F, v3;
	v3 =	vshll.u32 v3, $0x3  }
0x1b9: {  	s18 =	sadd.s32 $0x8400, s26;
	s23 =	sand.u32 $0x3FFFFF80, s23;
	v10 =	vshll.u32 v10, $0xA;
	v8 =	vld.idx.msk [tilespmem:v8+s4+$0x0], $0xffff;
	v13 =	vor.u32 s0, v60;
	v3 =	vand.u32 $0xFFFFFC00, v3  }
0x1ba: {  	s25 =	sadd.s32 $0xFFFFF000, s14;
	s26 =	sor.u32 s1, s18;
	s23 =	sadd.s32 $0x8400, s23;
	v61 =	vand.u32 $0x7F, v9;
	v3 =	vor.u32 v10, v3;
	v10 =	vld.idx.msk [tilespmem:v11+s4+$0x0], $0xffff;
	v11 =	vor.u32 v0, v13  }
0x1bb: {  	s1 =	sor.u32 s15, s18;
	s3 =	sor.u32 s3, s23;
	[tilespmem:s26+$0x0] =	vst v2;
	v2 =	vshll.u32 v9, $0x3;
	v9 =	vld [tilespmem:s17+$0x380];
	v62 =	vor.u32 s25, v61;
	v63 =	vadd.s32 v3, v11  }
0x1bc: {  	s15 =	simm.s32 $0x62;
	s18 =	sadd.s32 $0xFFFFF000, s0;
	s17 =	sor.u32 s16, s23;
	v3 =	vand.u32 $0xFFFFFC00, v2;
	v2 =	vor.u32 v0, v62;
	v11 =	vld.idx.msk [tilespmem:v58+s4+$0x0], $0xffff;
	[tilespmem:s3+$0x0] =	vst v63  }
.LBB2_8:
0x1bd: {  	s15 =	sadd.s32 $0x2, s15;
	v4 =	vld.idx.msk [tilespmem:v4+s4+$0x0], $0xffff  }
0x1be: {  	s3 =	sshll.u32 s15, $0x7;
	p1 =	slt.u32 s15, $0x7E;
	v5 =	vld.idx.msk [tilespmem:v5+s4+$0x0], $0xffff  }
0x1bf: {  	s31 =	sadd.s32 $0x20, s31;
	v8 =	vshll.u32 v8, $0x1;
	s3 =	sand.u32 $0x3FFFFC00, s3;
	v7 =	vld.idx.msk [tilespmem:v7+s4+$0x0], $0xffff  }
0x1c0: {  	s23 =	sadd.s32 $0xFFFFFFF0, s31;
	s16 =	sand.u32 $0x70, s31;
	v8 =	vor.u32 v10, v8;
	s25 =	sadd.s32 $0x4400, s3;
	v6 =	vld.idx.msk [tilespmem:v6+s4+$0x0], $0xffff  }
0x1c1: {  	s3 =	sand.u32 $0x60, s23;
	s26 =	sor.u32 s16, s25;
	v10 =	vld.idx.msk [tilespmem:v1+s4+$0x0], $0xffff;
	v1 =	vmov v9  }
0x1c2: {  	s23 =	sor.u32 s3, s25;
	v11 =	vshll.u32 v11, $0x2;
	v9 =	vld [tilespmem:s26+$0x0]  }
0x1c3: {  	v8 =	vor.u32 v11, v8;
	v4 =	vshll.u32 v4, $0x3;
	v12 =	vld [tilespmem:s26+$0x80]  }
0x1c4: {  	v4 =	vor.u32 v4, v8;
	v5 =	vshll.u32 v5, $0x4;
	v11 =	vld [tilespmem:s26+$0x100]  }
0x1c5: {  	v4 =	vor.u32 v5, v4;
	v5 =	vshll.u32 v7, $0x5;
	v8 =	vld [tilespmem:s26+$0x180]  }
0x1c6: {  	v4 =	vor.u32 v5, v4;
	v5 =	vshll.u32 v6, $0x6;
	v7 =	vld [tilespmem:s26+$0x200]  }
0x1c7: {  	v4 =	vor.u32 v5, v4;
	v5 =	vshll.u32 v10, $0xA;
	v6 =	vld [tilespmem:s26+$0x280]  }
0x1c8: {  	v13 =	vand.u32 $0x7F, v4;
	v4 =	vshll.u32 v4, $0x3;
	v5 =	vor.u32 v5, v3;
	v10 =	vld [tilespmem:s26+$0x300]  }
0x1c9: {  	v13 =	vor.u32 s18, v13;
	v3 =	vand.u32 $0xFFFFFC00, v4;
	v4 =	vadd.s32 v5, v2;
	v14 =	vld [tilespmem:s26+$0x380]  }
0x1ca: {  	v2 =	vor.u32 v0, v13;
	v5 =	vld.idx.msk [tilespmem:v9+s4+$0x0], $0xffff;
	[tilespmem:s1+$0x0] =	vst v4;
	s1 =	smov.u32 s17  }
0x1cb: {  	v4 =	vld.idx.msk [tilespmem:v12+s4+$0x0], $0xffff  }
0x1cc: {  	v9 =	vld.idx.msk [tilespmem:v11+s4+$0x0], $0xffff  }
0x1cd: {  	v8 =	vld.idx.msk [tilespmem:v8+s4+$0x0], $0xffff  }
0x1ce: {  	v7 =	vld.idx.msk [tilespmem:v7+s4+$0x0], $0xffff  }
0x1cf: {  	v6 =	vld.idx.msk [tilespmem:v6+s4+$0x0], $0xffff  }
0x1d0: {  	v10 =	vld.idx.msk [tilespmem:v10+s4+$0x0], $0xffff  }
0x1d1: {  	v4 =	vshll.u32 v4, $0x1;
	v11 =	vld [tilespmem:s23+$0x80]  }
0x1d2: {  	v4 =	vor.u32 v5, v4;
	v5 =	vshll.u32 v9, $0x2;
	v12 =	vld [tilespmem:s23+$0x0]  }
0x1d3: {  	v4 =	vor.u32 v5, v4;
	v5 =	vshll.u32 v8, $0x3;
	v9 =	vld.idx.msk [tilespmem:v14+s4+$0x0], $0xffff  }
0x1d4: {  	v5 =	vor.u32 v5, v4;
	v7 =	vshll.u32 v7, $0x4;
	v13 =	vld [tilespmem:s23+$0x100]  }
0x1d5: {  	v7 =	vor.u32 v7, v5;
	v6 =	vshll.u32 v6, $0x5;
	v4 =	vld [tilespmem:s23+$0x180]  }
0x1d6: {  	v6 =	vor.u32 v6, v7;
	v8 =	vshll.u32 v10, $0x6;
	v5 =	vld [tilespmem:s23+$0x200]  }
0x1d7: {  	v8 =	vor.u32 v8, v6;
	v7 =	vld [tilespmem:s23+$0x280]  }
.Ltmp3:
0x1d8: {  	s0 =	sadd.s32 $0x2000, s0;
	s17 =	sshll.u32 s15, $0x4;
	v10 =	vand.u32 $0x7F, v8;
	v14 =	vshll.u32 v8, $0x3;
	v6 =	vld [tilespmem:s23+$0x300];
	(pc) =	sbr.rel @p1 .LBB2_8-.Ltmp3, $4  }
0x1d9: {  	s18 =	sadd.s32 $0xFFFFF000, s0;
	s17 =	sand.u32 $0x3FFFFF80, s17;
	v9 =	vshll.u32 v9, $0xA;
	v14 =	vand.u32 $0xFFFFFC00, v14;
	v8 =	vld.idx.msk [tilespmem:v11+s4+$0x0], $0xffff;
	v11 =	vor.u32 s0, v10  }
0x1da: {  	s25 =	sadd.s32 $0x8400, s17;
	v10 =	vld.idx.msk [tilespmem:v12+s4+$0x0], $0xffff;
	v12 =	vor.u32 v9, v14;
	v11 =	vor.u32 v0, v11  }
0x1db: {  	s17 =	sor.u32 s3, s25;
	s3 =	sor.u32 s16, s25;
	v9 =	vld [tilespmem:s23+$0x380];
	v12 =	vadd.s32 v12, v11  }
0x1dc: {  	v11 =	vld.idx.msk [tilespmem:v13+s4+$0x0], $0xffff;
	[tilespmem:s3+$0x0] =	vst v12  }
0x1dd: {  	_ =	sdelay $0x3  }
0x1de: {  	v4 =	vld.idx.msk [tilespmem:v4+s4+$0x0], $0xffff  }
0x1df: {  	v5 =	vld.idx.msk [tilespmem:v5+s4+$0x0], $0xffff  }
0x1e0: {  	v7 =	vld.idx.msk [tilespmem:v7+s4+$0x0], $0xffff  }
0x1e1: {  	v6 =	vld.idx.msk [tilespmem:v6+s4+$0x0], $0xffff;
	v8 =	vshll.u32 v8, $0x1  }
0x1e2: {  	v1 =	vld.idx.msk [tilespmem:v1+s4+$0x0], $0xffff;
	v8 =	vor.u32 v10, v8;
	v59 =	vshll.u32 v11, $0x2  }
0x1e3: {  	v8 =	vor.u32 v59, v8;
	v4 =	vshll.u32 v4, $0x3  }
0x1e4: {  	v60 =	vld.idx.msk [tilespmem:v9+s4+$0x0], $0xffff;
	v5 =	vshll.u32 v5, $0x4;
	v4 =	vor.u32 v4, v8  }
0x1e5: {  	v61 =	vshll.u32 v7, $0x5;
	v4 =	vor.u32 v5, v4  }
0x1e6: {  	v62 =	vshll.u32 v6, $0x6;
	v4 =	vor.u32 v61, v4  }
0x1e7: {  	v1 =	vshll.u32 v1, $0xA;
	v4 =	vor.u32 v62, v4  }
0x1e8: {  	v1 =	vor.u32 v1, v3;
	v5 =	vand.u32 $0x7F, v4;
	v4 =	vshll.u32 v4, $0x3  }
0x1e9: {  	v63 =	vshll.u32 v60, $0xA;
	v3 =	vor.u32 s18, v5;
	v4 =	vand.u32 $0xFFFFFC00, v4  }
0x1ea: {  	v1 =	vadd.s32 v1, v2;
	v2 =	vor.u32 v0, v3;
	v3 =	vor.u32 v63, v4  }
0x1eb: {  	[tilespmem:s1+$0x0] =	vst v1;
	v1 =	vadd.s32 v3, v2  }
0x1ec: {  	s0 =	simm.s32 $0x8A00;
	s16 =	simm.s32 $0x9200;
	[tilespmem:s17+$0x0] =	vst v1  }
0x1ed: {  	[tilespmem:s16], [sflag:$0x3] =	stream.indirect.gather [hbm4b:s2+s22], $0x1, s0, s22, $0xb8;
	[tilespmem:$0x9400] =	vst v63  }
0x1ee: {  	s18 =	simm.s32 $0x9280;
	s17 =	simm.s32 $0x8A80  }
0x1ef: {  	[tilespmem:s18], [sflag:$0x3] =	stream.indirect.gather [hbm4b:s2+s22], $0x1, s17, s22, $0xb8;
	[tilespmem:$0x9400] =	vst v63  }
0x1f0: {  	s23 =	simm.s32 $0x8B00;
	s25 =	simm.s32 $0x9300  }
0x1f1: {  	[tilespmem:s25], [sflag:$0x3] =	stream.indirect.gather [hbm4b:s2+s22], $0x1, s23, s22, $0xb8;
	[tilespmem:$0x9400] =	vst v63  }
0x1f2: {  	s26 =	simm.s32 $0x8B80;
	s31 =	simm.s32 $0x9380  }
0x1f3: {  	[tilespmem:s31], [sflag:$0x3] =	stream.indirect.gather [hbm4b:s2+s22], $0x1, s26, s22, $0xb8;
	[tilespmem:$0x9400] =	vst v63  }
0x1f4: {  	_ =	swait.ge [sflag:s28], $0x80  }
0x1f5: {  	[sflag:s28] =	ssyncset.done $0x0  }
0x1f6: {  	[sflag:s28] =	ssyncadd.s32 $0xFFFFFF80  }
0x1f7: {  	_ =	swait.ge [sflag:s28], $0x80  }
0x1f8: {  	[sflag:s28] =	ssyncset.done $0x0  }
0x1f9: {  	[sflag:s28] =	ssyncadd.s32 $0xFFFFFF80  }
0x1fa: {  	_ =	swait.ge [sflag:s28], $0x80  }
0x1fb: {  	[sflag:s28] =	ssyncset.done $0x0  }
0x1fc: {  	[sflag:s28] =	ssyncadd.s32 $0xFFFFFF80  }
0x1fd: {  	_ =	swait.ge [sflag:s28], $0x80  }
0x1fe: {  	[sflag:s28] =	ssyncset.done $0x0  }
0x1ff: {  	[sflag:s28] =	ssyncadd.s32 $0xFFFFFF80  }
0x200: {  	_ =	swait.ge [sflag:s28], $0x80  }
0x201: {  	[sflag:s28] =	ssyncset.done $0x0  }
0x202: {  	[sflag:s28] =	ssyncadd.s32 $0xFFFFFF80  }
0x203: {  	_ =	swait.ge [sflag:s28], $0x80  }
0x204: {  	[sflag:s28] =	ssyncset.done $0x0  }
0x205: {  	[sflag:s28] =	ssyncadd.s32 $0xFFFFFF80  }
0x206: {  	_ =	swait.ge [sflag:s28], $0x80  }
0x207: {  	[sflag:s28] =	ssyncset.done $0x0  }
0x208: {  	[sflag:s28] =	ssyncadd.s32 $0xFFFFFF80  }
0x209: {  	_ =	swait.ge [sflag:s28], $0x80  }
0x20a: {  	[sflag:s28] =	ssyncset.done $0x0  }
0x20b: {  	[sflag:s28] =	ssyncadd.s32 $0xFFFFFF80  }
0x20c: {  	_ =	swait.ge [sflag:s28], $0x80  }
0x20d: {  	[sflag:s28] =	ssyncset.done $0x0  }
0x20e: {  	[sflag:s28] =	ssyncadd.s32 $0xFFFFFF80  }
0x20f: {  	_ =	swait.ge [sflag:s28], $0x80  }
0x210: {  	[sflag:s28] =	ssyncset.done $0x0  }
0x211: {  	[sflag:s28] =	ssyncadd.s32 $0xFFFFFF80  }
0x212: {  	_ =	swait.ge [sflag:s28], $0x80  }
0x213: {  	[sflag:s28] =	ssyncset.done $0x0  }
0x214: {  	[sflag:s28] =	ssyncadd.s32 $0xFFFFFF80  }
0x215: {  	_ =	swait.ge [sflag:s28], $0x80  }
0x216: {  	[sflag:s28] =	ssyncset.done $0x0  }
0x217: {  	[sflag:s28] =	ssyncadd.s32 $0xFFFFFF80  }
0x218: {  	_ =	swait.ge [sflag:s28], $0x80  }
0x219: {  	[sflag:s28] =	ssyncset.done $0x0  }
0x21a: {  	[sflag:s28] =	ssyncadd.s32 $0xFFFFFF80  }
0x21b: {  	_ =	swait.ge [sflag:s28], $0x80  }
0x21c: {  	[sflag:s28] =	ssyncset.done $0x0  }
0x21d: {  	[sflag:s28] =	ssyncadd.s32 $0xFFFFFF80  }
0x21e: {  	_ =	swait.ge [sflag:s28], $0x80  }
0x21f: {  	[sflag:s28] =	ssyncset.done $0x0  }
0x220: {  	[sflag:s28] =	ssyncadd.s32 $0xFFFFFF80  }
0x221: {  	s30 =	sadd.s32 $0x1, s30;
	_ =	swait.ge [sflag:s28], $0x80  }
0x222: {  	p1 =	sne.s32 s30, s10;
	[sflag:s28] =	ssyncset.done $0x0  }
.Ltmp4:
0x223: {  	[sflag:s28] =	ssyncadd.s32 $0xFFFFFF80;
	(pc) =	sbr.rel @p1 .LBB2_1-.Ltmp4, $4  }
0x224: {  	[hbm4b:s9+s4] =	stream.linear.scatter [tilespmem:s24], [sflag:$0x4], $0x800, $0x38;
	[tilespmem:$0x9400] =	vst v63  }
0x225: {  	_ =	swait.ge [sflag:s29], $0x800  }
0x226: {  	[sflag:s29] =	ssyncset.done $0x0  }
0x227: {  	[sflag:s29] =	ssyncadd.s32 $0xFFFFF800  }
0x228: {  	_ =	sfence.sel $0x180000  }
0x229: {  	[bflag:$0x0] =	sbarrier.arrive $0xFFFF  }
0x22a: {  	_ =	strace $0x90000047  }
0x22b: {  	[bflag:$0x2] =	sbarrier.arrive $0xFFFF  }
0x22c: {  	s0 =	rddreg [dreg:$0x5]  }
0x22d: {  	s0 =	sadd.s32 @!p0 $0x100000, s0  }
0x22e: {  	[sflag:s0] =	ssyncadd.tile.s32 @!p0 $0x1;
	_ =	shalt  }
.Lfunc_end2:
_tile_overlayer_lowered:
.L_overlay_start_2:
0x22f: {  	(tag) =	ssettag $0x2  }
0x230: {  	s0 =	rddreg [dreg:$0x0];
	s2 =	stileid.u32  }
0x231: {  	s1 =	rddreg [dreg:$0x1];
	p0 =	sne.s32 s2, $0x0  }
0x232: {  	s3 =	rddreg [dreg:$0x2];
	[bflag:$0x3] =	sbarrier.arrive $0xFFFF;
	s2 =	simm.s32 @!p0 $0x1C04  }
0x233: {  	[timem:s3], [sflag:s2] =	dma.local @!p0 [hbm:s0], s1  }
0x234: {  	s0 =	simm.s32 @!p0 $0x4  }
0x235: {  	_ =	swait.ge @!p0 [sflag:s0], s1  }
0x236: {  	s1 =	ssub.s32 @!p0 $0x0, s1;
	[sflag:s0] =	ssyncset.done @!p0 $0x0  }
0x237: {  	[sflag:s0] =	ssyncadd.s32 @!p0 s1  }
0x238: {  	[bflag:$0x3] =	sbarrier.arrive $0xFFFF  }
0x239: {  	_ =	shalt  }

</sc_bundles>
